<compile_context>
chip_gen: v7x
topology: tpu7x:2x2x1
jax: 0.10.2.dev20260603
libtpu: 0.0.44.dev20260713+nightly
codegen_flags: <defaults>
</compile_context>

<pallas_src>
import jax
import jax.numpy as jnp
from jax import lax
from jax.experimental import pallas as pl
from jax.experimental.pallas import tpu as pltpu
from jax.experimental.pallas import tpu_sc as plsc

N = 10000
K = 16
D = 256

N_TC = 8400
N_SC = 1600

TC_BLOCK = 840
TAIL_BLOCK = 80
CH = 8


def _tc_main_body(src_ref, neigh_ref, wagg_ref, wself_ref, out_ref):
    neigh = neigh_ref[...]
    mean = jnp.sum(neigh, axis=1) * (1.0 / K)
    h = lax.dot_general(
        src_ref[...], wself_ref[...], (((1,), (0,)), ((), ())),
        preferred_element_type=jnp.float32,
    )
    h += lax.dot_general(
        mean, wagg_ref[...], (((1,), (0,)), ((), ())),
        preferred_element_type=jnp.float32,
    )
    out_ref[...] = jnp.maximum(h, 0.0)


def _tc_tail_body(src_ref, mean_ref, wagg_ref, wself_ref, out_ref):
    h = lax.dot_general(
        src_ref[...], wself_ref[...], (((1,), (0,)), ((), ())),
        preferred_element_type=jnp.float32,
    )
    h += lax.dot_general(
        mean_ref[...], wagg_ref[...], (((1,), (0,)), ((), ())),
        preferred_element_type=jnp.float32,
    )
    out_ref[...] = jnp.maximum(h, 0.0)


def _sc_mean_body(in_vmem, out_vmem):
    @pl.loop(0, CH)
    def _(nn):
        @pl.loop(0, D, step=32)
        def _(dc, nn=nn):
            for half in range(2):
                d0 = dc + 16 * half
                acc = in_vmem[nn, 0, pl.ds(d0, 16)]
                for k in range(1, K):
                    acc = acc + in_vmem[nn, k, pl.ds(d0, 16)]
                out_vmem[nn, pl.ds(d0, 16)] = acc * (1.0 / K)


def _sc_aggregate_part(neigh, start_row, rows):
    mesh = plsc.VectorSubcoreMesh(core_axis_name="c", subcore_axis_name="s")
    start_blk = start_row // CH

    def body(neigh_hbm, out_hbm):
        pltpu.emit_pipeline(
            _sc_mean_body,
            grid=(rows // CH,),
            in_specs=[pl.BlockSpec(
                (CH, K, D), lambda i, o=start_blk: (i + o, 0, 0))],
            out_specs=[pl.BlockSpec((CH, D), lambda i: (i, 0))],
            core_axis_name=("c", "s"),
            dimension_semantics=(pltpu.PARALLEL,),
        )(neigh_hbm, out_hbm)

    f = pl.kernel(
        body,
        out_type=jax.ShapeDtypeStruct((rows, D), jnp.float32),
        mesh=mesh,
        scratch_types=[],
    )
    return f(neigh)


def _tc_tail_call(src, mean, W_agg, W_self, row_off, rows):
    off_blk = row_off // TAIL_BLOCK
    return pl.pallas_call(
        _tc_tail_body,
        grid=(rows // TAIL_BLOCK,),
        in_specs=[
            pl.BlockSpec((TAIL_BLOCK, D), lambda j, o=off_blk: (o + j, 0)),
            pl.BlockSpec((TAIL_BLOCK, D), lambda j: (j, 0)),
            pl.BlockSpec((D, D), lambda j: (0, 0)),
            pl.BlockSpec((D, D), lambda j: (0, 0)),
        ],
        out_specs=pl.BlockSpec((TAIL_BLOCK, D), lambda j: (j, 0)),
        out_shape=jax.ShapeDtypeStruct((rows, D), jnp.float32),
    )(src, mean, W_agg, W_self)


def kernel(src_node_features, neighbor_node_features, W_agg, W_self):
    mean_sc = _sc_aggregate_part(neighbor_node_features, N_TC, N_SC)
    out_main = pl.pallas_call(
        _tc_main_body,
        grid=(N_TC // TC_BLOCK,),
        in_specs=[
            pl.BlockSpec((TC_BLOCK, D), lambda i: (i, 0)),
            pl.BlockSpec((TC_BLOCK, K, D), lambda i: (i, 0, 0)),
            pl.BlockSpec((D, D), lambda i: (0, 0)),
            pl.BlockSpec((D, D), lambda i: (0, 0)),
        ],
        out_specs=pl.BlockSpec((TC_BLOCK, D), lambda i: (i, 0)),
        out_shape=jax.ShapeDtypeStruct((N_TC, D), jnp.float32),
    )(src_node_features, neighbor_node_features, W_agg, W_self)
    out_tail = _tc_tail_call(src_node_features, mean_sc, W_agg, W_self,
                             N_TC, N_SC)
    return jnp.concatenate([out_main, out_tail], axis=0)

# --- scband reference (transcript-rebuilt; emitter-appended) ---
"""Pipeline reference for scband-sage-gcn-22127671509496 (READ-ONLY COPY).

The authoritative reference and input builder live on the scoring server;
editing this copy changes nothing except your own understanding.
"""

import jax, jax.numpy as jnp
import numpy as np

N = 10000
K = 16
D_IN = 256
D_OUT = 256

def setup_inputs(seed: int = 0) -> dict:
    key = jax.random.key(seed)
    k1, k2, k3, k4 = jax.random.split(key, 4)
    src_node_features = jax.random.normal(k1, (N, D_IN), dtype=jnp.float32)
    neighbor_node_features = jax.random.normal(k2, (N, K, D_IN), dtype=jnp.float32)
    # kaiming-uniform-like init for weights
    bound_agg = float(np.sqrt(6.0 / D_IN))
    W_agg = jax.random.uniform(k3, (D_IN, D_OUT), dtype=jnp.float32, minval=-bound_agg, maxval=bound_agg)
    W_self = jax.random.uniform(k4, (D_IN, D_OUT), dtype=jnp.float32, minval=-bound_agg, maxval=bound_agg)
    return {"src_node_features": src_node_features, "neighbor_node_features": neighbor_node_features, "W_agg": W_agg, "W_self": W_self}

def reference(src_node_features, neighbor_node_features, W_agg, W_self):
    # NeighborAggregator with aggr_method='mean'
    aggr_neighbor = jnp.mean(neighbor_node_features, axis=1)
    neighbor_hidden = jnp.matmul(aggr_neighbor, W_agg)
    # self transform
    self_hidden = jnp.matmul(src_node_features, W_self)
    # aggr_hidden_method='sum'
    hidden = self_hidden + neighbor_hidden
    # activation=F.relu (original code has a bug returning the function itself;
    # the intended semantics are to apply the activation)
    return jax.nn.relu(hidden)

if __name__ == "__main__":
    import jax
    _d = setup_inputs()
    print(jax.jit(kernel)(*tuple(_d.values())))

</pallas_src>

<mosaic_0001>
#map = affine_map<(d0, d1) -> (0, 0, 0)>
#map1 = affine_map<(d0, d1) -> (0, 0)>
module attributes {stable_mosaic.version = 14 : i64} {
  func.func @body(%arg0: i32, %arg1: i32, %arg2: memref<10000x16x256xf32, #tpu.memory_space<hbm>>, %arg3: memref<1600x256xf32, #tpu.memory_space<hbm>>) attributes {dimension_semantics = [#tpu.dimension_semantics<core_parallel>, #tpu.dimension_semantics<subcore_parallel>], iteration_bounds = array<i64: 2, 16>, scalar_prefetch = 0 : i64, scratch_operands = 0 : i64, tpu.core_type = #tpu.core_type<sc_vector_subcore>, window_params = [{transform_indices = #map}, {transform_indices = #map1}]} {
    %mul3A = arith.constant 1 : i32
    %mul3A_0 = arith.muli %arg1, %mul3A : i32
    %add3A = arith.constant 0 : i32
    %add3A_1 = arith.addi %add3A, %mul3A_0 : i32
    %mul3A_2 = arith.constant 16 : i32
    %mul3A_3 = arith.muli %arg0, %mul3A_2 : i32
    %add3A_4 = arith.addi %add3A_1, %mul3A_3 : i32
    %lt3A = arith.constant 8 : i32
    %lt3A_5 = arith.cmpi slt, %add3A_4, %lt3A : i32
    %jit3A = arith.constant 7 : i32
    %jit3A_6 = arith.constant 6 : i32
    %select_n3A = arith.select %lt3A_5, %jit3A, %jit3A_6 : i32
    %lt3A_7 = arith.constant 8 : i32
    %lt3A_8 = arith.cmpi slt, %add3A_4, %lt3A_7 : i32
    %mul3A_9 = arith.muli %add3A_4, %select_n3A : i32
    %mul3A_10 = arith.constant 6 : i32
    %mul3A_11 = arith.muli %add3A_4, %mul3A_10 : i32
    %add3A_12 = arith.constant 8 : i32
    %add3A_13 = arith.addi %mul3A_11, %add3A_12 : i32
    %select_n3A_14 = arith.select %lt3A_8, %mul3A_9, %add3A_13 : i32
    %mul3A_15 = arith.constant 1 : i32
    %mul3A_16 = arith.muli %mul3A_15, %select_n3A : i32
    "tpu.region"() ({
      %run_scoped3A = memref.alloca() : memref<2x8x16x256xf32, #tpu.memory_space<vmem>>
      %run_scoped3A_17 = tpu.sem_alloc : memref<2x!tpu.dma_semaphore, #tpu.memory_space<semaphore_mem>>
      %run_scoped3A_18 = memref.alloca() : memref<2x8x256xf32, #tpu.memory_space<vmem>>
      %run_scoped3A_19 = tpu.sem_alloc : memref<2x!tpu.dma_semaphore, #tpu.memory_space<semaphore_mem>>
      %gt3A = arith.constant 0 : i32
      %gt3A_20 = arith.cmpi sgt, %mul3A_16, %gt3A : i32
      %convert_element_type3A = arith.extui %gt3A_20 : i1 to i32
      %cond3A = arith.constant 0 : i32
      %cond3A_21 = arith.cmpi ne, %convert_element_type3A, %cond3A : i32
      scf.if %cond3A_21 {
        %mul3A_22 = arith.constant 1 : i32
        %mul3A_23 = arith.muli %mul3A_22, %select_n3A : i32
        %sub3A = arith.constant 1 : i32
        %sub3A_24 = arith.subi %mul3A_23, %sub3A : i32
        %eq3A = arith.constant 0 : i32
        %eq3A_25 = arith.cmpi eq, %sub3A_24, %eq3A : i32
        %add3A_26 = arith.constant 0 : i32
        %add3A_27 = arith.addi %add3A_26, %select_n3A_14 : i32
        %select_n3A_28 = arith.constant true
        %select_n3A_29 = arith.constant 0 : i32
        %select_n3A_30 = arith.constant -1 : i32
        %select_n3A_31 = arith.select %select_n3A_28, %select_n3A_30, %select_n3A_29 : i32
        %eq3A_32 = arith.constant -1 : i32
        %eq3A_33 = arith.cmpi eq, %select_n3A_31, %eq3A_32 : i32
        %sub3A_34 = arith.constant 1 : i32
        %sub3A_35 = arith.subi %select_n3A, %sub3A_34 : i32
        %select_n3A_36 = arith.select %eq3A_33, %sub3A_35, %select_n3A_31 : i32
        %add3A_37 = arith.addi %select_n3A_36, %select_n3A_14 : i32
        %select_n3A_38 = arith.constant true
        %select_n3A_39 = arith.constant 0 : i32
        %select_n3A_40 = arith.constant 1 : i32
        %select_n3A_41 = arith.select %select_n3A_38, %select_n3A_40, %select_n3A_39 : i32
        %eq3A_42 = arith.cmpi eq, %select_n3A_41, %select_n3A : i32
        %select_n3A_43 = arith.constant 0 : i32
        %select_n3A_44 = arith.select %eq3A_42, %select_n3A_43, %select_n3A_41 : i32
        %add3A_45 = arith.addi %select_n3A_44, %select_n3A_14 : i32
        %add3A_46 = arith.constant 1 : i32
        %add3A_47 = arith.addi %select_n3A_44, %add3A_46 : i32
        %select_n3A_48 = arith.constant true
        %select_n3A_49 = arith.select %select_n3A_48, %add3A_47, %select_n3A_44 : i32
        %eq3A_50 = arith.cmpi eq, %select_n3A_49, %select_n3A : i32
        %select_n3A_51 = arith.constant 0 : i32
        %select_n3A_52 = arith.select %eq3A_50, %select_n3A_51, %select_n3A_49 : i32
        %add3A_53 = arith.addi %select_n3A_52, %select_n3A_14 : i32
        "tpu.trace_start"() <{level = 10 : i32, message = "ep_initialize_0"}> : () -> ()
        %rem3A = arith.constant 0 : i32
        %rem3A_54 = arith.constant 2 : i32
        %rem3A_55 = arith.remui %rem3A, %rem3A_54 : i32
        %add3A_56 = arith.constant 1050 : i32
        %add3A_57 = arith.addi %add3A_27, %add3A_56 : i32
        %mul3A_58 = arith.constant 8 : i32
        %mul3A_59 = arith.muli %mul3A_58, %add3A_57 : i32
        %dma_start3A = arith.constant 0 : i32
        %dma_start3A_60 = arith.constant 0 : i32
        %dma_start3A_61 = arith.constant 0 : i32
        %dma_start3A_62 = tpu.memref_slice %run_scoped3A[%rem3A_55, %dma_start3A, %dma_start3A_60, %dma_start3A_61] : memref<2x8x16x256xf32, #tpu.memory_space<vmem>> -> memref<1x8x16x256xf32, #tpu.memory_space<vmem>>
        %dma_start3A_63 = tpu.memref_squeeze %dma_start3A_62 : memref<1x8x16x256xf32, #tpu.memory_space<vmem>> -> memref<8x16x256xf32, #tpu.memory_space<vmem>>
        %dma_start3A_64 = arith.constant 0 : i32
        %dma_start3A_65 = arith.constant 0 : i32
        %dma_start3A_66 = tpu.memref_slice %arg2[%mul3A_59, %dma_start3A_64, %dma_start3A_65] : memref<10000x16x256xf32, #tpu.memory_space<hbm>> -> memref<8x16x256xf32, #tpu.memory_space<hbm>>
        %dma_start3A_67 = tpu.memref_slice %run_scoped3A_17[%rem3A_55] : memref<2x!tpu.dma_semaphore, #tpu.memory_space<semaphore_mem>> -> memref<1x!tpu.dma_semaphore, #tpu.memory_space<semaphore_mem>>
        %dma_start3A_68 = tpu.memref_squeeze %dma_start3A_67 : memref<1x!tpu.dma_semaphore, #tpu.memory_space<semaphore_mem>> -> memref<!tpu.dma_semaphore, #tpu.memory_space<semaphore_mem>>
        %dma_start3A_69 = arith.constant 0 : i32
        %dma_start3A_70 = arith.constant 0 : i32
        %dma_start3A_71 = arith.constant 0 : i32
        %dma_start3A_72 = tpu.memref_slice %run_scoped3A[%rem3A_55, %dma_start3A_69, %dma_start3A_70, %dma_start3A_71] : memref<2x8x16x256xf32, #tpu.memory_space<vmem>> -> memref<1x8x16x256xf32, #tpu.memory_space<vmem>>
        %dma_start3A_73 = tpu.memref_squeeze %dma_start3A_72 : memref<1x8x16x256xf32, #tpu.memory_space<vmem>> -> memref<8x16x256xf32, #tpu.memory_space<vmem>>
        %dma_start3A_74 = arith.constant 0 : i32
        %dma_start3A_75 = arith.constant 0 : i32
        %dma_start3A_76 = tpu.memref_slice %arg2[%mul3A_59, %dma_start3A_74, %dma_start3A_75] : memref<10000x16x256xf32, #tpu.memory_space<hbm>> -> memref<8x16x256xf32, #tpu.memory_space<hbm>>
        tpu.enqueue_dma source(%dma_start3A_76 : memref<8x16x256xf32, #tpu.memory_space<hbm>>) target(%dma_start3A_73 : memref<8x16x256xf32, #tpu.memory_space<vmem>>) target_semaphore(%dma_start3A_68 : memref<!tpu.dma_semaphore, #tpu.memory_space<semaphore_mem>>)
        %add3A_77 = arith.constant 0 : i32
        %add3A_78 = arith.constant 1 : i32
        %add3A_79 = arith.addi %add3A_77, %add3A_78 : i32
        %select_n3A_80 = arith.constant true
        %select_n3A_81 = arith.constant 0 : i32
        %select_n3A_82 = arith.select %select_n3A_80, %add3A_79, %select_n3A_81 : i32
        %while3A = arith.constant 0 : i32
        %while3A_83 = arith.constant 0 : i32
        %while3A_84 = arith.constant 0 : i32
        %while3A_85 = arith.constant 0 : i32
        %while3A_86 = arith.constant 0 : i32
        "tpu.trace_stop"() : () -> ()
        %while3A_87 = arith.subi %mul3A_16, %while3A : i32
        %while3A_88 = arith.addi %while3A, %while3A_87 : i32
        %while3A_89 = arith.constant 1 : i32
        %while3A_90 = arith.divsi %while3A_87, %while3A_89 : i32
        %while3A_91 = arith.muli %while3A_90, %while3A_89 : i32
        %while3A_92 = arith.addi %while3A, %while3A_91 : i32
        %while3A_93 = arith.constant 1 : i32
        %while3A_94:5 = scf.for %while3A_148 = %while3A to %while3A_92 step %while3A_93 iter_args(%while3A_149 = %select_n3A_82, %while3A_150 = %while3A_83, %while3A_151 = %while3A_84, %while3A_152 = %while3A_85, %while3A_153 = %while3A_86) -> (i32, i32, i32, i32, i32)  : i32 {
          %mul3A_154 = arith.constant 1 : i32
          %mul3A_155 = arith.muli %mul3A_154, %select_n3A : i32
          %eq3A_156 = arith.constant 0 : i32
          %eq3A_157 = arith.cmpi eq, %while3A_148, %eq3A_156 : i32
          %sub3A_158 = arith.constant 1 : i32
          %sub3A_159 = arith.subi %mul3A_155, %sub3A_158 : i32
          %eq3A_160 = arith.cmpi eq, %while3A_148, %sub3A_159 : i32
          %add3A_161 = arith.addi %while3A_153, %select_n3A_14 : i32
          %sub3A_162 = arith.constant 1 : i32
          %sub3A_163 = arith.subi %while3A_153, %sub3A_162 : i32
          %select_n3A_164 = arith.constant true
          %select_n3A_165 = arith.select %select_n3A_164, %sub3A_163, %while3A_153 : i32
          %eq3A_166 = arith.constant -1 : i32
          %eq3A_167 = arith.cmpi eq, %select_n3A_165, %eq3A_166 : i32
          %sub3A_168 = arith.constant 1 : i32
          %sub3A_169 = arith.subi %select_n3A, %sub3A_168 : i32
          %select_n3A_170 = arith.select %eq3A_167, %sub3A_169, %select_n3A_165 : i32
          %add3A_171 = arith.addi %select_n3A_170, %select_n3A_14 : i32
          %add3A_172 = arith.constant 1 : i32
          %add3A_173 = arith.addi %while3A_153, %add3A_172 : i32
          %select_n3A_174 = arith.constant true
          %select_n3A_175 = arith.select %select_n3A_174, %add3A_173, %while3A_153 : i32
          %eq3A_176 = arith.cmpi eq, %select_n3A_175, %select_n3A : i32
          %select_n3A_177 = arith.constant 0 : i32
          %select_n3A_178 = arith.select %eq3A_176, %select_n3A_177, %select_n3A_175 : i32
          %add3A_179 = arith.addi %select_n3A_178, %select_n3A_14 : i32
          %add3A_180 = arith.constant 1 : i32
          %add3A_181 = arith.addi %select_n3A_178, %add3A_180 : i32
          %select_n3A_182 = arith.constant true
          %select_n3A_183 = arith.select %select_n3A_182, %add3A_181, %select_n3A_178 : i32
          %eq3A_184 = arith.cmpi eq, %select_n3A_183, %select_n3A : i32
          %select_n3A_185 = arith.constant 0 : i32
          %select_n3A_186 = arith.select %eq3A_184, %select_n3A_185, %select_n3A_183 : i32
          %add3A_187 = arith.addi %select_n3A_186, %select_n3A_14 : i32
          %add3A_188 = arith.constant 1050 : i32
          %add3A_189 = arith.addi %add3A_161, %add3A_188 : i32
          %add3A_190 = arith.constant 1050 : i32
          %add3A_191 = arith.addi %add3A_179, %add3A_190 : i32
          %ne3A = arith.cmpi ne, %add3A_189, %add3A_191 : i32
          %or3A = arith.constant false
          %or3A_192 = arith.ori %or3A, %ne3A : i1
          %or3A_193 = arith.constant false
          %or3A_194 = arith.ori %or3A_192, %or3A_193 : i1
          %or3A_195 = arith.constant false
          %or3A_196 = arith.ori %or3A_194, %or3A_195 : i1
          %sub3A_197 = arith.constant 2 : i32
          %sub3A_198 = arith.subi %mul3A_155, %sub3A_197 : i32
          %add3A_199 = arith.constant 1 : i32
          %add3A_200 = arith.addi %sub3A_198, %add3A_199 : i32
          %ge3A = arith.cmpi sge, %while3A_148, %add3A_200 : i32
          %not3A = arith.constant true
          %not3A_201 = arith.xori %ge3A, %not3A : i1
          %and3A = arith.andi %or3A_196, %not3A_201 : i1
          %convert_element_type3A_202 = arith.extui %and3A : i1 to i32
          %cond3A_203 = arith.constant 0 : i32
          %cond3A_204 = arith.cmpi ne, %convert_element_type3A_202, %cond3A_203 : i32
          scf.if %cond3A_204 {
            "tpu.trace_start"() <{level = 10 : i32, message = "ep_copy_in"}> : () -> ()
            %rem3A_343 = arith.constant 2 : i32
            %rem3A_344 = arith.remui %while3A_149, %rem3A_343 : i32
            %add3A_345 = arith.constant 1050 : i32
            %add3A_346 = arith.addi %add3A_179, %add3A_345 : i32
            %mul3A_347 = arith.constant 8 : i32
            %mul3A_348 = arith.muli %mul3A_347, %add3A_346 : i32
            %dma_start3A_349 = arith.constant 0 : i32
            %dma_start3A_350 = arith.constant 0 : i32
            %dma_start3A_351 = arith.constant 0 : i32
            %dma_start3A_352 = tpu.memref_slice %run_scoped3A[%rem3A_344, %dma_start3A_349, %dma_start3A_350, %dma_start3A_351] : memref<2x8x16x256xf32, #tpu.memory_space<vmem>> -> memref<1x8x16x256xf32, #tpu.memory_space<vmem>>
            %dma_start3A_353 = tpu.memref_squeeze %dma_start3A_352 : memref<1x8x16x256xf32, #tpu.memory_space<vmem>> -> memref<8x16x256xf32, #tpu.memory_space<vmem>>
            %dma_start3A_354 = arith.constant 0 : i32
            %dma_start3A_355 = arith.constant 0 : i32
            %dma_start3A_356 = tpu.memref_slice %arg2[%mul3A_348, %dma_start3A_354, %dma_start3A_355] : memref<10000x16x256xf32, #tpu.memory_space<hbm>> -> memref<8x16x256xf32, #tpu.memory_space<hbm>>
            %dma_start3A_357 = tpu.memref_slice %run_scoped3A_17[%rem3A_344] : memref<2x!tpu.dma_semaphore, #tpu.memory_space<semaphore_mem>> -> memref<1x!tpu.dma_semaphore, #tpu.memory_space<semaphore_mem>>
            %dma_start3A_358 = tpu.memref_squeeze %dma_start3A_357 : memref<1x!tpu.dma_semaphore, #tpu.memory_space<semaphore_mem>> -> memref<!tpu.dma_semaphore, #tpu.memory_space<semaphore_mem>>
            %dma_start3A_359 = arith.constant 0 : i32
            %dma_start3A_360 = arith.constant 0 : i32
            %dma_start3A_361 = arith.constant 0 : i32
            %dma_start3A_362 = tpu.memref_slice %run_scoped3A[%rem3A_344, %dma_start3A_359, %dma_start3A_360, %dma_start3A_361] : memref<2x8x16x256xf32, #tpu.memory_space<vmem>> -> memref<1x8x16x256xf32, #tpu.memory_space<vmem>>
            %dma_start3A_363 = tpu.memref_squeeze %dma_start3A_362 : memref<1x8x16x256xf32, #tpu.memory_space<vmem>> -> memref<8x16x256xf32, #tpu.memory_space<vmem>>
            %dma_start3A_364 = arith.constant 0 : i32
            %dma_start3A_365 = arith.constant 0 : i32
            %dma_start3A_366 = tpu.memref_slice %arg2[%mul3A_348, %dma_start3A_364, %dma_start3A_365] : memref<10000x16x256xf32, #tpu.memory_space<hbm>> -> memref<8x16x256xf32, #tpu.memory_space<hbm>>
            tpu.enqueue_dma source(%dma_start3A_366 : memref<8x16x256xf32, #tpu.memory_space<hbm>>) target(%dma_start3A_363 : memref<8x16x256xf32, #tpu.memory_space<vmem>>) target_semaphore(%dma_start3A_358 : memref<!tpu.dma_semaphore, #tpu.memory_space<semaphore_mem>>)
            "tpu.trace_stop"() : () -> ()
          } else {
          }
          %and3A_205 = arith.constant true
          %and3A_206 = arith.andi %and3A, %and3A_205 : i1
          %add3A_207 = arith.constant 1 : i32
          %add3A_208 = arith.addi %while3A_149, %add3A_207 : i32
          %select_n3A_209 = arith.select %and3A_206, %add3A_208, %while3A_149 : i32
          %ne3A_210 = arith.cmpi ne, %add3A_161, %add3A_179 : i32
          %or3A_211 = arith.constant false
          %or3A_212 = arith.ori %or3A_211, %ne3A_210 : i1
          %or3A_213 = arith.constant false
          %or3A_214 = arith.ori %or3A_212, %or3A_213 : i1
          %sub3A_215 = arith.constant 2 : i32
          %sub3A_216 = arith.subi %mul3A_155, %sub3A_215 : i32
          %add3A_217 = arith.constant 1 : i32
          %add3A_218 = arith.addi %sub3A_216, %add3A_217 : i32
          %ge3A_219 = arith.cmpi sge, %while3A_148, %add3A_218 : i32
          %not3A_220 = arith.constant true
          %not3A_221 = arith.xori %ge3A_219, %not3A_220 : i1
          %and3A_222 = arith.andi %or3A_214, %not3A_221 : i1
          %add3A_223 = arith.constant 1050 : i32
          %add3A_224 = arith.addi %add3A_161, %add3A_223 : i32
          %add3A_225 = arith.constant 1050 : i32
          %add3A_226 = arith.addi %add3A_171, %add3A_225 : i32
          %ne3A_227 = arith.cmpi ne, %add3A_224, %add3A_226 : i32
          %or3A_228 = arith.constant false
          %or3A_229 = arith.ori %or3A_228, %ne3A_227 : i1
          %or3A_230 = arith.constant false
          %or3A_231 = arith.ori %or3A_229, %or3A_230 : i1
          %or3A_232 = arith.constant false
          %or3A_233 = arith.ori %or3A_231, %or3A_232 : i1
          %or3A_234 = arith.ori %or3A_233, %eq3A_157 : i1
          %convert_element_type3A_235 = arith.extui %or3A_234 : i1 to i32
          %cond3A_236 = arith.constant 0 : i32
          %cond3A_237 = arith.cmpi ne, %convert_element_type3A_235, %cond3A_236 : i32
          scf.if %cond3A_237 {
            "tpu.trace_start"() <{level = 10 : i32, message = "ep_wait_in"}> : () -> ()
            %add3A_343 = arith.constant 1050 : i32
            %add3A_344 = arith.addi %add3A_161, %add3A_343 : i32
            %mul3A_345 = arith.constant 8 : i32
            %mul3A_346 = arith.muli %mul3A_345, %add3A_344 : i32
            %rem3A_347 = arith.constant 2 : i32
            %rem3A_348 = arith.remui %while3A_150, %rem3A_347 : i32
            %dma_wait3A = arith.constant 0 : i32
            %dma_wait3A_349 = arith.constant 0 : i32
            %dma_wait3A_350 = arith.constant 0 : i32
            %dma_wait3A_351 = tpu.memref_slice %run_scoped3A[%rem3A_348, %dma_wait3A, %dma_wait3A_349, %dma_wait3A_350] : memref<2x8x16x256xf32, #tpu.memory_space<vmem>> -> memref<1x8x16x256xf32, #tpu.memory_space<vmem>>
            %dma_wait3A_352 = tpu.memref_squeeze %dma_wait3A_351 : memref<1x8x16x256xf32, #tpu.memory_space<vmem>> -> memref<8x16x256xf32, #tpu.memory_space<vmem>>
            %dma_wait3A_353 = arith.constant 0 : i32
            %dma_wait3A_354 = arith.constant 0 : i32
            %dma_wait3A_355 = tpu.memref_slice %arg2[%mul3A_346, %dma_wait3A_353, %dma_wait3A_354] : memref<10000x16x256xf32, #tpu.memory_space<hbm>> -> memref<8x16x256xf32, #tpu.memory_space<hbm>>
            %dma_wait3A_356 = tpu.memref_slice %run_scoped3A_17[%rem3A_348] : memref<2x!tpu.dma_semaphore, #tpu.memory_space<semaphore_mem>> -> memref<1x!tpu.dma_semaphore, #tpu.memory_space<semaphore_mem>>
            %dma_wait3A_357 = tpu.memref_squeeze %dma_wait3A_356 : memref<1x!tpu.dma_semaphore, #tpu.memory_space<semaphore_mem>> -> memref<!tpu.dma_semaphore, #tpu.memory_space<semaphore_mem>>
            %dma_wait3A_358 = arith.constant 0 : i32
            %dma_wait3A_359 = arith.constant 0 : i32
            %dma_wait3A_360 = arith.constant 0 : i32
            %dma_wait3A_361 = tpu.memref_slice %run_scoped3A[%rem3A_348, %dma_wait3A_358, %dma_wait3A_359, %dma_wait3A_360] : memref<2x8x16x256xf32, #tpu.memory_space<vmem>> -> memref<1x8x16x256xf32, #tpu.memory_space<vmem>>
            %dma_wait3A_362 = tpu.memref_squeeze %dma_wait3A_361 : memref<1x8x16x256xf32, #tpu.memory_space<vmem>> -> memref<8x16x256xf32, #tpu.memory_space<vmem>>
            %dma_wait3A_363 = arith.constant 0 : i32
            %dma_wait3A_364 = arith.constant 0 : i32
            %dma_wait3A_365 = tpu.memref_slice %arg2[%mul3A_346, %dma_wait3A_363, %dma_wait3A_364] : memref<10000x16x256xf32, #tpu.memory_space<hbm>> -> memref<8x16x256xf32, #tpu.memory_space<hbm>>
            tpu.wait_dma2 semaphore(%dma_wait3A_357 : memref<!tpu.dma_semaphore, #tpu.memory_space<semaphore_mem>>) src(%dma_wait3A_365 : memref<8x16x256xf32, #tpu.memory_space<hbm>>) dst(%dma_wait3A_362 : memref<8x16x256xf32, #tpu.memory_space<vmem>>)
            "tpu.trace_stop"() : () -> ()
          } else {
          }
          %ne3A_238 = arith.cmpi ne, %add3A_161, %add3A_171 : i32
          %or3A_239 = arith.constant false
          %or3A_240 = arith.ori %or3A_239, %ne3A_238 : i1
          %or3A_241 = arith.constant false
          %or3A_242 = arith.ori %or3A_240, %or3A_241 : i1
          %or3A_243 = arith.ori %or3A_242, %eq3A_157 : i1
          %convert_element_type3A_244 = arith.extui %or3A_243 : i1 to i32
          %cond3A_245 = arith.constant 0 : i32
          %cond3A_246 = arith.cmpi ne, %convert_element_type3A_244, %cond3A_245 : i32
          scf.if %cond3A_246 {
          } else {
          }
          %rem3A_247 = arith.constant 2 : i32
          %rem3A_248 = arith.remui %while3A_150, %rem3A_247 : i32
          %rem3A_249 = arith.constant 2 : i32
          %rem3A_250 = arith.remui %while3A_151, %rem3A_249 : i32
          "tpu.trace_start"() <{level = 10 : i32, message = "ep_run_kernel"}> : () -> ()
          %scan3A = arith.constant 0 : i32
          %scan3A_251 = arith.constant 8 : i32
          %scan3A_252 = arith.addi %scan3A, %scan3A_251 : i32
          %scan3A_253 = arith.constant 1 : i32
          scf.for %scan3A_343 = %scan3A to %scan3A_252 step %scan3A_253  : i32 {
            %mul3A_344 = arith.constant 1 : i32
            %mul3A_345 = arith.muli %scan3A_343, %mul3A_344 : i32
            %add3A_346 = arith.constant 0 : i32
            %add3A_347 = arith.addi %add3A_346, %mul3A_345 : i32
            %scan3A_348 = arith.constant 0 : i32
            %scan3A_349 = arith.constant 8 : i32
            %scan3A_350 = arith.addi %scan3A_348, %scan3A_349 : i32
            %scan3A_351 = arith.constant 1 : i32
            scf.for %scan3A_353 = %scan3A_348 to %scan3A_350 step %scan3A_351  : i32 {
              %mul3A_354 = arith.constant 32 : i32
              %mul3A_355 = arith.muli %scan3A_353, %mul3A_354 : i32
              %add3A_356 = arith.constant 0 : i32
              %add3A_357 = arith.addi %add3A_356, %mul3A_355 : i32
              %add3A_358 = arith.constant 0 : i32
              %add3A_359 = arith.addi %add3A_357, %add3A_358 : i32
              %get3A = arith.constant 0 : i32
              %get3A_360 = arith.constant 0 : i32
              %get3A_361 = arith.constant 0 : i32
              %get3A_362 = arith.constant 0 : i32
              %get3A_363 = tpu.memref_slice %run_scoped3A[%rem3A_248, %get3A_360, %get3A_361, %get3A_362] : memref<2x8x16x256xf32, #tpu.memory_space<vmem>> -> memref<1x8x16x256xf32, #tpu.memory_space<vmem>>
              %get3A_364 = tpu.memref_squeeze %get3A_363 : memref<1x8x16x256xf32, #tpu.memory_space<vmem>> -> memref<8x16x256xf32, #tpu.memory_space<vmem>>
              %get3A_365 = arith.index_cast %add3A_347 : i32 to index
              %get3A_366 = arith.index_cast %get3A : i32 to index
              %get3A_367 = arith.index_cast %add3A_359 : i32 to index
              %get3A_368 = tpu.vector_load %get3A_364[%get3A_365, %get3A_366, %get3A_367] {strides = array<i32>} : memref<8x16x256xf32, #tpu.memory_space<vmem>>, vector<1x1x16xf32>,
              %get3A_369 = vector.shape_cast %get3A_368 : vector<1x1x16xf32> to vector<16xf32>
              %get3A_370 = arith.constant 1 : i32
              %get3A_371 = arith.constant 0 : i32
              %get3A_372 = arith.constant 0 : i32
              %get3A_373 = arith.constant 0 : i32
              %get3A_374 = tpu.memref_slice %run_scoped3A[%rem3A_248, %get3A_371, %get3A_372, %get3A_373] : memref<2x8x16x256xf32, #tpu.memory_space<vmem>> -> memref<1x8x16x256xf32, #tpu.memory_space<vmem>>
              %get3A_375 = tpu.memref_squeeze %get3A_374 : memref<1x8x16x256xf32, #tpu.memory_space<vmem>> -> memref<8x16x256xf32, #tpu.memory_space<vmem>>
              %get3A_376 = arith.index_cast %add3A_347 : i32 to index
              %get3A_377 = arith.index_cast %get3A_370 : i32 to index
              %get3A_378 = arith.index_cast %add3A_359 : i32 to index
              %get3A_379 = tpu.vector_load %get3A_375[%get3A_376, %get3A_377, %get3A_378] {strides = array<i32>} : memref<8x16x256xf32, #tpu.memory_space<vmem>>, vector<1x1x16xf32>,
              %get3A_380 = vector.shape_cast %get3A_379 : vector<1x1x16xf32> to vector<16xf32>
              %add3A_381 = arith.addf %get3A_369, %get3A_380 : vector<16xf32>
              %get3A_382 = arith.constant 2 : i32
              %get3A_383 = arith.constant 0 : i32
              %get3A_384 = arith.constant 0 : i32
              %get3A_385 = arith.constant 0 : i32
              %get3A_386 = tpu.memref_slice %run_scoped3A[%rem3A_248, %get3A_383, %get3A_384, %get3A_385] : memref<2x8x16x256xf32, #tpu.memory_space<vmem>> -> memref<1x8x16x256xf32, #tpu.memory_space<vmem>>
              %get3A_387 = tpu.memref_squeeze %get3A_386 : memref<1x8x16x256xf32, #tpu.memory_space<vmem>> -> memref<8x16x256xf32, #tpu.memory_space<vmem>>
              %get3A_388 = arith.index_cast %add3A_347 : i32 to index
              %get3A_389 = arith.index_cast %get3A_382 : i32 to index
              %get3A_390 = arith.index_cast %add3A_359 : i32 to index
              %get3A_391 = tpu.vector_load %get3A_387[%get3A_388, %get3A_389, %get3A_390] {strides = array<i32>} : memref<8x16x256xf32, #tpu.memory_space<vmem>>, vector<1x1x16xf32>,
              %get3A_392 = vector.shape_cast %get3A_391 : vector<1x1x16xf32> to vector<16xf32>
              %add3A_393 = arith.addf %add3A_381, %get3A_392 : vector<16xf32>
              %get3A_394 = arith.constant 3 : i32
              %get3A_395 = arith.constant 0 : i32
              %get3A_396 = arith.constant 0 : i32
              %get3A_397 = arith.constant 0 : i32
              %get3A_398 = tpu.memref_slice %run_scoped3A[%rem3A_248, %get3A_395, %get3A_396, %get3A_397] : memref<2x8x16x256xf32, #tpu.memory_space<vmem>> -> memref<1x8x16x256xf32, #tpu.memory_space<vmem>>
              %get3A_399 = tpu.memref_squeeze %get3A_398 : memref<1x8x16x256xf32, #tpu.memory_space<vmem>> -> memref<8x16x256xf32, #tpu.memory_space<vmem>>
              %get3A_400 = arith.index_cast %add3A_347 : i32 to index
              %get3A_401 = arith.index_cast %get3A_394 : i32 to index
              %get3A_402 = arith.index_cast %add3A_359 : i32 to index
              %get3A_403 = tpu.vector_load %get3A_399[%get3A_400, %get3A_401, %get3A_402] {strides = array<i32>} : memref<8x16x256xf32, #tpu.memory_space<vmem>>, vector<1x1x16xf32>,
              %get3A_404 = vector.shape_cast %get3A_403 : vector<1x1x16xf32> to vector<16xf32>
              %add3A_405 = arith.addf %add3A_393, %get3A_404 : vector<16xf32>
              %get3A_406 = arith.constant 4 : i32
              %get3A_407 = arith.constant 0 : i32
              %get3A_408 = arith.constant 0 : i32
              %get3A_409 = arith.constant 0 : i32
              %get3A_410 = tpu.memref_slice %run_scoped3A[%rem3A_248, %get3A_407, %get3A_408, %get3A_409] : memref<2x8x16x256xf32, #tpu.memory_space<vmem>> -> memref<1x8x16x256xf32, #tpu.memory_space<vmem>>
              %get3A_411 = tpu.memref_squeeze %get3A_410 : memref<1x8x16x256xf32, #tpu.memory_space<vmem>> -> memref<8x16x256xf32, #tpu.memory_space<vmem>>
              %get3A_412 = arith.index_cast %add3A_347 : i32 to index
              %get3A_413 = arith.index_cast %get3A_406 : i32 to index
              %get3A_414 = arith.index_cast %add3A_359 : i32 to index
              %get3A_415 = tpu.vector_load %get3A_411[%get3A_412, %get3A_413, %get3A_414] {strides = array<i32>} : memref<8x16x256xf32, #tpu.memory_space<vmem>>, vector<1x1x16xf32>,
              %get3A_416 = vector.shape_cast %get3A_415 : vector<1x1x16xf32> to vector<16xf32>
              %add3A_417 = arith.addf %add3A_405, %get3A_416 : vector<16xf32>
              %get3A_418 = arith.constant 5 : i32
              %get3A_419 = arith.constant 0 : i32
              %get3A_420 = arith.constant 0 : i32
              %get3A_421 = arith.constant 0 : i32
              %get3A_422 = tpu.memref_slice %run_scoped3A[%rem3A_248, %get3A_419, %get3A_420, %get3A_421] : memref<2x8x16x256xf32, #tpu.memory_space<vmem>> -> memref<1x8x16x256xf32, #tpu.memory_space<vmem>>
              %get3A_423 = tpu.memref_squeeze %get3A_422 : memref<1x8x16x256xf32, #tpu.memory_space<vmem>> -> memref<8x16x256xf32, #tpu.memory_space<vmem>>
              %get3A_424 = arith.index_cast %add3A_347 : i32 to index
              %get3A_425 = arith.index_cast %get3A_418 : i32 to index
              %get3A_426 = arith.index_cast %add3A_359 : i32 to index
              %get3A_427 = tpu.vector_load %get3A_423[%get3A_424, %get3A_425, %get3A_426] {strides = array<i32>} : memref<8x16x256xf32, #tpu.memory_space<vmem>>, vector<1x1x16xf32>,
              %get3A_428 = vector.shape_cast %get3A_427 : vector<1x1x16xf32> to vector<16xf32>
              %add3A_429 = arith.addf %add3A_417, %get3A_428 : vector<16xf32>
              %get3A_430 = arith.constant 6 : i32
              %get3A_431 = arith.constant 0 : i32
              %get3A_432 = arith.constant 0 : i32
              %get3A_433 = arith.constant 0 : i32
              %get3A_434 = tpu.memref_slice %run_scoped3A[%rem3A_248, %get3A_431, %get3A_432, %get3A_433] : memref<2x8x16x256xf32, #tpu.memory_space<vmem>> -> memref<1x8x16x256xf32, #tpu.memory_space<vmem>>
              %get3A_435 = tpu.memref_squeeze %get3A_434 : memref<1x8x16x256xf32, #tpu.memory_space<vmem>> -> memref<8x16x256xf32, #tpu.memory_space<vmem>>
              %get3A_436 = arith.index_cast %add3A_347 : i32 to index
              %get3A_437 = arith.index_cast %get3A_430 : i32 to index
              %get3A_438 = arith.index_cast %add3A_359 : i32 to index
              %get3A_439 = tpu.vector_load %get3A_435[%get3A_436, %get3A_437, %get3A_438] {strides = array<i32>} : memref<8x16x256xf32, #tpu.memory_space<vmem>>, vector<1x1x16xf32>,
              %get3A_440 = vector.shape_cast %get3A_439 : vector<1x1x16xf32> to vector<16xf32>
              %add3A_441 = arith.addf %add3A_429, %get3A_440 : vector<16xf32>
              %get3A_442 = arith.constant 7 : i32
              %get3A_443 = arith.constant 0 : i32
              %get3A_444 = arith.constant 0 : i32
              %get3A_445 = arith.constant 0 : i32
              %get3A_446 = tpu.memref_slice %run_scoped3A[%rem3A_248, %get3A_443, %get3A_444, %get3A_445] : memref<2x8x16x256xf32, #tpu.memory_space<vmem>> -> memref<1x8x16x256xf32, #tpu.memory_space<vmem>>
              %get3A_447 = tpu.memref_squeeze %get3A_446 : memref<1x8x16x256xf32, #tpu.memory_space<vmem>> -> memref<8x16x256xf32, #tpu.memory_space<vmem>>
              %get3A_448 = arith.index_cast %add3A_347 : i32 to index
              %get3A_449 = arith.index_cast %get3A_442 : i32 to index
              %get3A_450 = arith.index_cast %add3A_359 : i32 to index
              %get3A_451 = tpu.vector_load %get3A_447[%get3A_448, %get3A_449, %get3A_450] {strides = array<i32>} : memref<8x16x256xf32, #tpu.memory_space<vmem>>, vector<1x1x16xf32>,
              %get3A_452 = vector.shape_cast %get3A_451 : vector<1x1x16xf32> to vector<16xf32>
              %add3A_453 = arith.addf %add3A_441, %get3A_452 : vector<16xf32>
              %get3A_454 = arith.constant 8 : i32
              %get3A_455 = arith.constant 0 : i32
              %get3A_456 = arith.constant 0 : i32
              %get3A_457 = arith.constant 0 : i32
              %get3A_458 = tpu.memref_slice %run_scoped3A[%rem3A_248, %get3A_455, %get3A_456, %get3A_457] : memref<2x8x16x256xf32, #tpu.memory_space<vmem>> -> memref<1x8x16x256xf32, #tpu.memory_space<vmem>>
              %get3A_459 = tpu.memref_squeeze %get3A_458 : memref<1x8x16x256xf32, #tpu.memory_space<vmem>> -> memref<8x16x256xf32, #tpu.memory_space<vmem>>
              %get3A_460 = arith.index_cast %add3A_347 : i32 to index
              %get3A_461 = arith.index_cast %get3A_454 : i32 to index
              %get3A_462 = arith.index_cast %add3A_359 : i32 to index
              %get3A_463 = tpu.vector_load %get3A_459[%get3A_460, %get3A_461, %get3A_462] {strides = array<i32>} : memref<8x16x256xf32, #tpu.memory_space<vmem>>, vector<1x1x16xf32>,
              %get3A_464 = vector.shape_cast %get3A_463 : vector<1x1x16xf32> to vector<16xf32>
              %add3A_465 = arith.addf %add3A_453, %get3A_464 : vector<16xf32>
              %get3A_466 = arith.constant 9 : i32
              %get3A_467 = arith.constant 0 : i32
              %get3A_468 = arith.constant 0 : i32
              %get3A_469 = arith.constant 0 : i32
              %get3A_470 = tpu.memref_slice %run_scoped3A[%rem3A_248, %get3A_467, %get3A_468, %get3A_469] : memref<2x8x16x256xf32, #tpu.memory_space<vmem>> -> memref<1x8x16x256xf32, #tpu.memory_space<vmem>>
              %get3A_471 = tpu.memref_squeeze %get3A_470 : memref<1x8x16x256xf32, #tpu.memory_space<vmem>> -> memref<8x16x256xf32, #tpu.memory_space<vmem>>
              %get3A_472 = arith.index_cast %add3A_347 : i32 to index
              %get3A_473 = arith.index_cast %get3A_466 : i32 to index
              %get3A_474 = arith.index_cast %add3A_359 : i32 to index
              %get3A_475 = tpu.vector_load %get3A_471[%get3A_472, %get3A_473, %get3A_474] {strides = array<i32>} : memref<8x16x256xf32, #tpu.memory_space<vmem>>, vector<1x1x16xf32>,
              %get3A_476 = vector.shape_cast %get3A_475 : vector<1x1x16xf32> to vector<16xf32>
              %add3A_477 = arith.addf %add3A_465, %get3A_476 : vector<16xf32>
              %get3A_478 = arith.constant 10 : i32
              %get3A_479 = arith.constant 0 : i32
              %get3A_480 = arith.constant 0 : i32
              %get3A_481 = arith.constant 0 : i32
              %get3A_482 = tpu.memref_slice %run_scoped3A[%rem3A_248, %get3A_479, %get3A_480, %get3A_481] : memref<2x8x16x256xf32, #tpu.memory_space<vmem>> -> memref<1x8x16x256xf32, #tpu.memory_space<vmem>>
              %get3A_483 = tpu.memref_squeeze %get3A_482 : memref<1x8x16x256xf32, #tpu.memory_space<vmem>> -> memref<8x16x256xf32, #tpu.memory_space<vmem>>
              %get3A_484 = arith.index_cast %add3A_347 : i32 to index
              %get3A_485 = arith.index_cast %get3A_478 : i32 to index
              %get3A_486 = arith.index_cast %add3A_359 : i32 to index
              %get3A_487 = tpu.vector_load %get3A_483[%get3A_484, %get3A_485, %get3A_486] {strides = array<i32>} : memref<8x16x256xf32, #tpu.memory_space<vmem>>, vector<1x1x16xf32>,
              %get3A_488 = vector.shape_cast %get3A_487 : vector<1x1x16xf32> to vector<16xf32>
              %add3A_489 = arith.addf %add3A_477, %get3A_488 : vector<16xf32>
              %get3A_490 = arith.constant 11 : i32
              %get3A_491 = arith.constant 0 : i32
              %get3A_492 = arith.constant 0 : i32
              %get3A_493 = arith.constant 0 : i32
              %get3A_494 = tpu.memref_slice %run_scoped3A[%rem3A_248, %get3A_491, %get3A_492, %get3A_493] : memref<2x8x16x256xf32, #tpu.memory_space<vmem>> -> memref<1x8x16x256xf32, #tpu.memory_space<vmem>>
              %get3A_495 = tpu.memref_squeeze %get3A_494 : memref<1x8x16x256xf32, #tpu.memory_space<vmem>> -> memref<8x16x256xf32, #tpu.memory_space<vmem>>
              %get3A_496 = arith.index_cast %add3A_347 : i32 to index
              %get3A_497 = arith.index_cast %get3A_490 : i32 to index
              %get3A_498 = arith.index_cast %add3A_359 : i32 to index
              %get3A_499 = tpu.vector_load %get3A_495[%get3A_496, %get3A_497, %get3A_498] {strides = array<i32>} : memref<8x16x256xf32, #tpu.memory_space<vmem>>, vector<1x1x16xf32>,
              %get3A_500 = vector.shape_cast %get3A_499 : vector<1x1x16xf32> to vector<16xf32>
              %add3A_501 = arith.addf %add3A_489, %get3A_500 : vector<16xf32>
              %get3A_502 = arith.constant 12 : i32
              %get3A_503 = arith.constant 0 : i32
              %get3A_504 = arith.constant 0 : i32
              %get3A_505 = arith.constant 0 : i32
              %get3A_506 = tpu.memref_slice %run_scoped3A[%rem3A_248, %get3A_503, %get3A_504, %get3A_505] : memref<2x8x16x256xf32, #tpu.memory_space<vmem>> -> memref<1x8x16x256xf32, #tpu.memory_space<vmem>>
              %get3A_507 = tpu.memref_squeeze %get3A_506 : memref<1x8x16x256xf32, #tpu.memory_space<vmem>> -> memref<8x16x256xf32, #tpu.memory_space<vmem>>
              %get3A_508 = arith.index_cast %add3A_347 : i32 to index
              %get3A_509 = arith.index_cast %get3A_502 : i32 to index
              %get3A_510 = arith.index_cast %add3A_359 : i32 to index
              %get3A_511 = tpu.vector_load %get3A_507[%get3A_508, %get3A_509, %get3A_510] {strides = array<i32>} : memref<8x16x256xf32, #tpu.memory_space<vmem>>, vector<1x1x16xf32>,
              %get3A_512 = vector.shape_cast %get3A_511 : vector<1x1x16xf32> to vector<16xf32>
              %add3A_513 = arith.addf %add3A_501, %get3A_512 : vector<16xf32>
              %get3A_514 = arith.constant 13 : i32
              %get3A_515 = arith.constant 0 : i32
              %get3A_516 = arith.constant 0 : i32
              %get3A_517 = arith.constant 0 : i32
              %get3A_518 = tpu.memref_slice %run_scoped3A[%rem3A_248, %get3A_515, %get3A_516, %get3A_517] : memref<2x8x16x256xf32, #tpu.memory_space<vmem>> -> memref<1x8x16x256xf32, #tpu.memory_space<vmem>>
              %get3A_519 = tpu.memref_squeeze %get3A_518 : memref<1x8x16x256xf32, #tpu.memory_space<vmem>> -> memref<8x16x256xf32, #tpu.memory_space<vmem>>
              %get3A_520 = arith.index_cast %add3A_347 : i32 to index
              %get3A_521 = arith.index_cast %get3A_514 : i32 to index
              %get3A_522 = arith.index_cast %add3A_359 : i32 to index
              %get3A_523 = tpu.vector_load %get3A_519[%get3A_520, %get3A_521, %get3A_522] {strides = array<i32>} : memref<8x16x256xf32, #tpu.memory_space<vmem>>, vector<1x1x16xf32>,
              %get3A_524 = vector.shape_cast %get3A_523 : vector<1x1x16xf32> to vector<16xf32>
              %add3A_525 = arith.addf %add3A_513, %get3A_524 : vector<16xf32>
              %get3A_526 = arith.constant 14 : i32
              %get3A_527 = arith.constant 0 : i32
              %get3A_528 = arith.constant 0 : i32
              %get3A_529 = arith.constant 0 : i32
              %get3A_530 = tpu.memref_slice %run_scoped3A[%rem3A_248, %get3A_527, %get3A_528, %get3A_529] : memref<2x8x16x256xf32, #tpu.memory_space<vmem>> -> memref<1x8x16x256xf32, #tpu.memory_space<vmem>>
              %get3A_531 = tpu.memref_squeeze %get3A_530 : memref<1x8x16x256xf32, #tpu.memory_space<vmem>> -> memref<8x16x256xf32, #tpu.memory_space<vmem>>
              %get3A_532 = arith.index_cast %add3A_347 : i32 to index
              %get3A_533 = arith.index_cast %get3A_526 : i32 to index
              %get3A_534 = arith.index_cast %add3A_359 : i32 to index
              %get3A_535 = tpu.vector_load %get3A_531[%get3A_532, %get3A_533, %get3A_534] {strides = array<i32>} : memref<8x16x256xf32, #tpu.memory_space<vmem>>, vector<1x1x16xf32>,
              %get3A_536 = vector.shape_cast %get3A_535 : vector<1x1x16xf32> to vector<16xf32>
              %add3A_537 = arith.addf %add3A_525, %get3A_536 : vector<16xf32>
              %get3A_538 = arith.constant 15 : i32
              %get3A_539 = arith.constant 0 : i32
              %get3A_540 = arith.constant 0 : i32
              %get3A_541 = arith.constant 0 : i32
              %get3A_542 = tpu.memref_slice %run_scoped3A[%rem3A_248, %get3A_539, %get3A_540, %get3A_541] : memref<2x8x16x256xf32, #tpu.memory_space<vmem>> -> memref<1x8x16x256xf32, #tpu.memory_space<vmem>>
              %get3A_543 = tpu.memref_squeeze %get3A_542 : memref<1x8x16x256xf32, #tpu.memory_space<vmem>> -> memref<8x16x256xf32, #tpu.memory_space<vmem>>
              %get3A_544 = arith.index_cast %add3A_347 : i32 to index
              %get3A_545 = arith.index_cast %get3A_538 : i32 to index
              %get3A_546 = arith.index_cast %add3A_359 : i32 to index
              %get3A_547 = tpu.vector_load %get3A_543[%get3A_544, %get3A_545, %get3A_546] {strides = array<i32>} : memref<8x16x256xf32, #tpu.memory_space<vmem>>, vector<1x1x16xf32>,
              %get3A_548 = vector.shape_cast %get3A_547 : vector<1x1x16xf32> to vector<16xf32>
              %add3A_549 = arith.addf %add3A_537, %get3A_548 : vector<16xf32>
              %mul3A_550 = arith.constant 6.250000e-02 : f32
              %mul3A_551 = vector.broadcast %mul3A_550 : f32 to vector<16xf32>
              %mul3A_552 = arith.mulf %add3A_549, %mul3A_551 : vector<16xf32>
              %swap3A = arith.constant 0 : i32
              %swap3A_553 = arith.constant 0 : i32
              %swap3A_554 = tpu.memref_slice %run_scoped3A_18[%rem3A_250, %swap3A, %swap3A_553] : memref<2x8x256xf32, #tpu.memory_space<vmem>> -> memref<1x8x256xf32, #tpu.memory_space<vmem>>
              %swap3A_555 = tpu.memref_squeeze %swap3A_554 : memref<1x8x256xf32, #tpu.memory_space<vmem>> -> memref<8x256xf32, #tpu.memory_space<vmem>>
              %swap3A_556 = arith.index_cast %add3A_347 : i32 to index
              %swap3A_557 = arith.index_cast %add3A_359 : i32 to index
              %swap3A_558 = tpu.vector_load %swap3A_555[%swap3A_556, %swap3A_557] {strides = array<i32>} : memref<8x256xf32, #tpu.memory_space<vmem>>, vector<1x16xf32>,
              %swap3A_559 = vector.shape_cast %swap3A_558 : vector<1x16xf32> to vector<16xf32>
              %swap3A_560 = vector.shape_cast %mul3A_552 : vector<16xf32> to vector<1x16xf32>
              tpu.vector_store %swap3A_555[%swap3A_556, %swap3A_557], %swap3A_560 {strides = array<i32>} : memref<8x256xf32, #tpu.memory_space<vmem>>, vector<1x16xf32>,
              %add3A_561 = arith.constant 16 : i32
              %add3A_562 = arith.addi %add3A_357, %add3A_561 : i32
              %get3A_563 = arith.constant 0 : i32
              %get3A_564 = arith.constant 0 : i32
              %get3A_565 = arith.constant 0 : i32
              %get3A_566 = arith.constant 0 : i32
              %get3A_567 = tpu.memref_slice %run_scoped3A[%rem3A_248, %get3A_564, %get3A_565, %get3A_566] : memref<2x8x16x256xf32, #tpu.memory_space<vmem>> -> memref<1x8x16x256xf32, #tpu.memory_space<vmem>>
              %get3A_568 = tpu.memref_squeeze %get3A_567 : memref<1x8x16x256xf32, #tpu.memory_space<vmem>> -> memref<8x16x256xf32, #tpu.memory_space<vmem>>
              %get3A_569 = arith.index_cast %add3A_347 : i32 to index
              %get3A_570 = arith.index_cast %get3A_563 : i32 to index
              %get3A_571 = arith.index_cast %add3A_562 : i32 to index
              %get3A_572 = tpu.vector_load %get3A_568[%get3A_569, %get3A_570, %get3A_571] {strides = array<i32>} : memref<8x16x256xf32, #tpu.memory_space<vmem>>, vector<1x1x16xf32>,
              %get3A_573 = vector.shape_cast %get3A_572 : vector<1x1x16xf32> to vector<16xf32>
              %get3A_574 = arith.constant 1 : i32
              %get3A_575 = arith.constant 0 : i32
              %get3A_576 = arith.constant 0 : i32
              %get3A_577 = arith.constant 0 : i32
              %get3A_578 = tpu.memref_slice %run_scoped3A[%rem3A_248, %get3A_575, %get3A_576, %get3A_577] : memref<2x8x16x256xf32, #tpu.memory_space<vmem>> -> memref<1x8x16x256xf32, #tpu.memory_space<vmem>>
              %get3A_579 = tpu.memref_squeeze %get3A_578 : memref<1x8x16x256xf32, #tpu.memory_space<vmem>> -> memref<8x16x256xf32, #tpu.memory_space<vmem>>
              %get3A_580 = arith.index_cast %add3A_347 : i32 to index
              %get3A_581 = arith.index_cast %get3A_574 : i32 to index
              %get3A_582 = arith.index_cast %add3A_562 : i32 to index
              %get3A_583 = tpu.vector_load %get3A_579[%get3A_580, %get3A_581, %get3A_582] {strides = array<i32>} : memref<8x16x256xf32, #tpu.memory_space<vmem>>, vector<1x1x16xf32>,
              %get3A_584 = vector.shape_cast %get3A_583 : vector<1x1x16xf32> to vector<16xf32>
              %add3A_585 = arith.addf %get3A_573, %get3A_584 : vector<16xf32>
              %get3A_586 = arith.constant 2 : i32
              %get3A_587 = arith.constant 0 : i32
              %get3A_588 = arith.constant 0 : i32
              %get3A_589 = arith.constant 0 : i32
              %get3A_590 = tpu.memref_slice %run_scoped3A[%rem3A_248, %get3A_587, %get3A_588, %get3A_589] : memref<2x8x16x256xf32, #tpu.memory_space<vmem>> -> memref<1x8x16x256xf32, #tpu.memory_space<vmem>>
              %get3A_591 = tpu.memref_squeeze %get3A_590 : memref<1x8x16x256xf32, #tpu.memory_space<vmem>> -> memref<8x16x256xf32, #tpu.memory_space<vmem>>
              %get3A_592 = arith.index_cast %add3A_347 : i32 to index
              %get3A_593 = arith.index_cast %get3A_586 : i32 to index
              %get3A_594 = arith.index_cast %add3A_562 : i32 to index
              %get3A_595 = tpu.vector_load %get3A_591[%get3A_592, %get3A_593, %get3A_594] {strides = array<i32>} : memref<8x16x256xf32, #tpu.memory_space<vmem>>, vector<1x1x16xf32>,
              %get3A_596 = vector.shape_cast %get3A_595 : vector<1x1x16xf32> to vector<16xf32>
              %add3A_597 = arith.addf %add3A_585, %get3A_596 : vector<16xf32>
              %get3A_598 = arith.constant 3 : i32
              %get3A_599 = arith.constant 0 : i32
              %get3A_600 = arith.constant 0 : i32
              %get3A_601 = arith.constant 0 : i32
              %get3A_602 = tpu.memref_slice %run_scoped3A[%rem3A_248, %get3A_599, %get3A_600, %get3A_601] : memref<2x8x16x256xf32, #tpu.memory_space<vmem>> -> memref<1x8x16x256xf32, #tpu.memory_space<vmem>>
              %get3A_603 = tpu.memref_squeeze %get3A_602 : memref<1x8x16x256xf32, #tpu.memory_space<vmem>> -> memref<8x16x256xf32, #tpu.memory_space<vmem>>
              %get3A_604 = arith.index_cast %add3A_347 : i32 to index
              %get3A_605 = arith.index_cast %get3A_598 : i32 to index
              %get3A_606 = arith.index_cast %add3A_562 : i32 to index
              %get3A_607 = tpu.vector_load %get3A_603[%get3A_604, %get3A_605, %get3A_606] {strides = array<i32>} : memref<8x16x256xf32, #tpu.memory_space<vmem>>, vector<1x1x16xf32>,
              %get3A_608 = vector.shape_cast %get3A_607 : vector<1x1x16xf32> to vector<16xf32>
              %add3A_609 = arith.addf %add3A_597, %get3A_608 : vector<16xf32>
              %get3A_610 = arith.constant 4 : i32
              %get3A_611 = arith.constant 0 : i32
              %get3A_612 = arith.constant 0 : i32
              %get3A_613 = arith.constant 0 : i32
              %get3A_614 = tpu.memref_slice %run_scoped3A[%rem3A_248, %get3A_611, %get3A_612, %get3A_613] : memref<2x8x16x256xf32, #tpu.memory_space<vmem>> -> memref<1x8x16x256xf32, #tpu.memory_space<vmem>>
              %get3A_615 = tpu.memref_squeeze %get3A_614 : memref<1x8x16x256xf32, #tpu.memory_space<vmem>> -> memref<8x16x256xf32, #tpu.memory_space<vmem>>
              %get3A_616 = arith.index_cast %add3A_347 : i32 to index
              %get3A_617 = arith.index_cast %get3A_610 : i32 to index
              %get3A_618 = arith.index_cast %add3A_562 : i32 to index
              %get3A_619 = tpu.vector_load %get3A_615[%get3A_616, %get3A_617, %get3A_618] {strides = array<i32>} : memref<8x16x256xf32, #tpu.memory_space<vmem>>, vector<1x1x16xf32>,
              %get3A_620 = vector.shape_cast %get3A_619 : vector<1x1x16xf32> to vector<16xf32>
              %add3A_621 = arith.addf %add3A_609, %get3A_620 : vector<16xf32>
              %get3A_622 = arith.constant 5 : i32
              %get3A_623 = arith.constant 0 : i32
              %get3A_624 = arith.constant 0 : i32
              %get3A_625 = arith.constant 0 : i32
              %get3A_626 = tpu.memref_slice %run_scoped3A[%rem3A_248, %get3A_623, %get3A_624, %get3A_625] : memref<2x8x16x256xf32, #tpu.memory_space<vmem>> -> memref<1x8x16x256xf32, #tpu.memory_space<vmem>>
              %get3A_627 = tpu.memref_squeeze %get3A_626 : memref<1x8x16x256xf32, #tpu.memory_space<vmem>> -> memref<8x16x256xf32, #tpu.memory_space<vmem>>
              %get3A_628 = arith.index_cast %add3A_347 : i32 to index
              %get3A_629 = arith.index_cast %get3A_622 : i32 to index
              %get3A_630 = arith.index_cast %add3A_562 : i32 to index
              %get3A_631 = tpu.vector_load %get3A_627[%get3A_628, %get3A_629, %get3A_630] {strides = array<i32>} : memref<8x16x256xf32, #tpu.memory_space<vmem>>, vector<1x1x16xf32>,
              %get3A_632 = vector.shape_cast %get3A_631 : vector<1x1x16xf32> to vector<16xf32>
              %add3A_633 = arith.addf %add3A_621, %get3A_632 : vector<16xf32>
              %get3A_634 = arith.constant 6 : i32
              %get3A_635 = arith.constant 0 : i32
              %get3A_636 = arith.constant 0 : i32
              %get3A_637 = arith.constant 0 : i32
              %get3A_638 = tpu.memref_slice %run_scoped3A[%rem3A_248, %get3A_635, %get3A_636, %get3A_637] : memref<2x8x16x256xf32, #tpu.memory_space<vmem>> -> memref<1x8x16x256xf32, #tpu.memory_space<vmem>>
              %get3A_639 = tpu.memref_squeeze %get3A_638 : memref<1x8x16x256xf32, #tpu.memory_space<vmem>> -> memref<8x16x256xf32, #tpu.memory_space<vmem>>
              %get3A_640 = arith.index_cast %add3A_347 : i32 to index
              %get3A_641 = arith.index_cast %get3A_634 : i32 to index
              %get3A_642 = arith.index_cast %add3A_562 : i32 to index
              %get3A_643 = tpu.vector_load %get3A_639[%get3A_640, %get3A_641, %get3A_642] {strides = array<i32>} : memref<8x16x256xf32, #tpu.memory_space<vmem>>, vector<1x1x16xf32>,
              %get3A_644 = vector.shape_cast %get3A_643 : vector<1x1x16xf32> to vector<16xf32>
              %add3A_645 = arith.addf %add3A_633, %get3A_644 : vector<16xf32>
              %get3A_646 = arith.constant 7 : i32
              %get3A_647 = arith.constant 0 : i32
              %get3A_648 = arith.constant 0 : i32
              %get3A_649 = arith.constant 0 : i32
              %get3A_650 = tpu.memref_slice %run_scoped3A[%rem3A_248, %get3A_647, %get3A_648, %get3A_649] : memref<2x8x16x256xf32, #tpu.memory_space<vmem>> -> memref<1x8x16x256xf32, #tpu.memory_space<vmem>>
              %get3A_651 = tpu.memref_squeeze %get3A_650 : memref<1x8x16x256xf32, #tpu.memory_space<vmem>> -> memref<8x16x256xf32, #tpu.memory_space<vmem>>
              %get3A_652 = arith.index_cast %add3A_347 : i32 to index
              %get3A_653 = arith.index_cast %get3A_646 : i32 to index
              %get3A_654 = arith.index_cast %add3A_562 : i32 to index
              %get3A_655 = tpu.vector_load %get3A_651[%get3A_652, %get3A_653, %get3A_654] {strides = array<i32>} : memref<8x16x256xf32, #tpu.memory_space<vmem>>, vector<1x1x16xf32>,
              %get3A_656 = vector.shape_cast %get3A_655 : vector<1x1x16xf32> to vector<16xf32>
              %add3A_657 = arith.addf %add3A_645, %get3A_656 : vector<16xf32>
              %get3A_658 = arith.constant 8 : i32
              %get3A_659 = arith.constant 0 : i32
              %get3A_660 = arith.constant 0 : i32
              %get3A_661 = arith.constant 0 : i32
              %get3A_662 = tpu.memref_slice %run_scoped3A[%rem3A_248, %get3A_659, %get3A_660, %get3A_661] : memref<2x8x16x256xf32, #tpu.memory_space<vmem>> -> memref<1x8x16x256xf32, #tpu.memory_space<vmem>>
              %get3A_663 = tpu.memref_squeeze %get3A_662 : memref<1x8x16x256xf32, #tpu.memory_space<vmem>> -> memref<8x16x256xf32, #tpu.memory_space<vmem>>
              %get3A_664 = arith.index_cast %add3A_347 : i32 to index
              %get3A_665 = arith.index_cast %get3A_658 : i32 to index
              %get3A_666 = arith.index_cast %add3A_562 : i32 to index
              %get3A_667 = tpu.vector_load %get3A_663[%get3A_664, %get3A_665, %get3A_666] {strides = array<i32>} : memref<8x16x256xf32, #tpu.memory_space<vmem>>, vector<1x1x16xf32>,
              %get3A_668 = vector.shape_cast %get3A_667 : vector<1x1x16xf32> to vector<16xf32>
              %add3A_669 = arith.addf %add3A_657, %get3A_668 : vector<16xf32>
              %get3A_670 = arith.constant 9 : i32
              %get3A_671 = arith.constant 0 : i32
              %get3A_672 = arith.constant 0 : i32
              %get3A_673 = arith.constant 0 : i32
              %get3A_674 = tpu.memref_slice %run_scoped3A[%rem3A_248, %get3A_671, %get3A_672, %get3A_673] : memref<2x8x16x256xf32, #tpu.memory_space<vmem>> -> memref<1x8x16x256xf32, #tpu.memory_space<vmem>>
              %get3A_675 = tpu.memref_squeeze %get3A_674 : memref<1x8x16x256xf32, #tpu.memory_space<vmem>> -> memref<8x16x256xf32, #tpu.memory_space<vmem>>
              %get3A_676 = arith.index_cast %add3A_347 : i32 to index
              %get3A_677 = arith.index_cast %get3A_670 : i32 to index
              %get3A_678 = arith.index_cast %add3A_562 : i32 to index
              %get3A_679 = tpu.vector_load %get3A_675[%get3A_676, %get3A_677, %get3A_678] {strides = array<i32>} : memref<8x16x256xf32, #tpu.memory_space<vmem>>, vector<1x1x16xf32>,
              %get3A_680 = vector.shape_cast %get3A_679 : vector<1x1x16xf32> to vector<16xf32>
              %add3A_681 = arith.addf %add3A_669, %get3A_680 : vector<16xf32>
              %get3A_682 = arith.constant 10 : i32
              %get3A_683 = arith.constant 0 : i32
              %get3A_684 = arith.constant 0 : i32
              %get3A_685 = arith.constant 0 : i32
              %get3A_686 = tpu.memref_slice %run_scoped3A[%rem3A_248, %get3A_683, %get3A_684, %get3A_685] : memref<2x8x16x256xf32, #tpu.memory_space<vmem>> -> memref<1x8x16x256xf32, #tpu.memory_space<vmem>>
              %get3A_687 = tpu.memref_squeeze %get3A_686 : memref<1x8x16x256xf32, #tpu.memory_space<vmem>> -> memref<8x16x256xf32, #tpu.memory_space<vmem>>
              %get3A_688 = arith.index_cast %add3A_347 : i32 to index
              %get3A_689 = arith.index_cast %get3A_682 : i32 to index
              %get3A_690 = arith.index_cast %add3A_562 : i32 to index
              %get3A_691 = tpu.vector_load %get3A_687[%get3A_688, %get3A_689, %get3A_690] {strides = array<i32>} : memref<8x16x256xf32, #tpu.memory_space<vmem>>, vector<1x1x16xf32>,
              %get3A_692 = vector.shape_cast %get3A_691 : vector<1x1x16xf32> to vector<16xf32>
              %add3A_693 = arith.addf %add3A_681, %get3A_692 : vector<16xf32>
              %get3A_694 = arith.constant 11 : i32
              %get3A_695 = arith.constant 0 : i32
              %get3A_696 = arith.constant 0 : i32
              %get3A_697 = arith.constant 0 : i32
              %get3A_698 = tpu.memref_slice %run_scoped3A[%rem3A_248, %get3A_695, %get3A_696, %get3A_697] : memref<2x8x16x256xf32, #tpu.memory_space<vmem>> -> memref<1x8x16x256xf32, #tpu.memory_space<vmem>>
              %get3A_699 = tpu.memref_squeeze %get3A_698 : memref<1x8x16x256xf32, #tpu.memory_space<vmem>> -> memref<8x16x256xf32, #tpu.memory_space<vmem>>
              %get3A_700 = arith.index_cast %add3A_347 : i32 to index
              %get3A_701 = arith.index_cast %get3A_694 : i32 to index
              %get3A_702 = arith.index_cast %add3A_562 : i32 to index
              %get3A_703 = tpu.vector_load %get3A_699[%get3A_700, %get3A_701, %get3A_702] {strides = array<i32>} : memref<8x16x256xf32, #tpu.memory_space<vmem>>, vector<1x1x16xf32>,
              %get3A_704 = vector.shape_cast %get3A_703 : vector<1x1x16xf32> to vector<16xf32>
              %add3A_705 = arith.addf %add3A_693, %get3A_704 : vector<16xf32>
              %get3A_706 = arith.constant 12 : i32
              %get3A_707 = arith.constant 0 : i32
              %get3A_708 = arith.constant 0 : i32
              %get3A_709 = arith.constant 0 : i32
              %get3A_710 = tpu.memref_slice %run_scoped3A[%rem3A_248, %get3A_707, %get3A_708, %get3A_709] : memref<2x8x16x256xf32, #tpu.memory_space<vmem>> -> memref<1x8x16x256xf32, #tpu.memory_space<vmem>>
              %get3A_711 = tpu.memref_squeeze %get3A_710 : memref<1x8x16x256xf32, #tpu.memory_space<vmem>> -> memref<8x16x256xf32, #tpu.memory_space<vmem>>
              %get3A_712 = arith.index_cast %add3A_347 : i32 to index
              %get3A_713 = arith.index_cast %get3A_706 : i32 to index
              %get3A_714 = arith.index_cast %add3A_562 : i32 to index
              %get3A_715 = tpu.vector_load %get3A_711[%get3A_712, %get3A_713, %get3A_714] {strides = array<i32>} : memref<8x16x256xf32, #tpu.memory_space<vmem>>, vector<1x1x16xf32>,
              %get3A_716 = vector.shape_cast %get3A_715 : vector<1x1x16xf32> to vector<16xf32>
              %add3A_717 = arith.addf %add3A_705, %get3A_716 : vector<16xf32>
              %get3A_718 = arith.constant 13 : i32
              %get3A_719 = arith.constant 0 : i32
              %get3A_720 = arith.constant 0 : i32
              %get3A_721 = arith.constant 0 : i32
              %get3A_722 = tpu.memref_slice %run_scoped3A[%rem3A_248, %get3A_719, %get3A_720, %get3A_721] : memref<2x8x16x256xf32, #tpu.memory_space<vmem>> -> memref<1x8x16x256xf32, #tpu.memory_space<vmem>>
              %get3A_723 = tpu.memref_squeeze %get3A_722 : memref<1x8x16x256xf32, #tpu.memory_space<vmem>> -> memref<8x16x256xf32, #tpu.memory_space<vmem>>
              %get3A_724 = arith.index_cast %add3A_347 : i32 to index
              %get3A_725 = arith.index_cast %get3A_718 : i32 to index
              %get3A_726 = arith.index_cast %add3A_562 : i32 to index
              %get3A_727 = tpu.vector_load %get3A_723[%get3A_724, %get3A_725, %get3A_726] {strides = array<i32>} : memref<8x16x256xf32, #tpu.memory_space<vmem>>, vector<1x1x16xf32>,
              %get3A_728 = vector.shape_cast %get3A_727 : vector<1x1x16xf32> to vector<16xf32>
              %add3A_729 = arith.addf %add3A_717, %get3A_728 : vector<16xf32>
              %get3A_730 = arith.constant 14 : i32
              %get3A_731 = arith.constant 0 : i32
              %get3A_732 = arith.constant 0 : i32
              %get3A_733 = arith.constant 0 : i32
              %get3A_734 = tpu.memref_slice %run_scoped3A[%rem3A_248, %get3A_731, %get3A_732, %get3A_733] : memref<2x8x16x256xf32, #tpu.memory_space<vmem>> -> memref<1x8x16x256xf32, #tpu.memory_space<vmem>>
              %get3A_735 = tpu.memref_squeeze %get3A_734 : memref<1x8x16x256xf32, #tpu.memory_space<vmem>> -> memref<8x16x256xf32, #tpu.memory_space<vmem>>
              %get3A_736 = arith.index_cast %add3A_347 : i32 to index
              %get3A_737 = arith.index_cast %get3A_730 : i32 to index
              %get3A_738 = arith.index_cast %add3A_562 : i32 to index
              %get3A_739 = tpu.vector_load %get3A_735[%get3A_736, %get3A_737, %get3A_738] {strides = array<i32>} : memref<8x16x256xf32, #tpu.memory_space<vmem>>, vector<1x1x16xf32>,
              %get3A_740 = vector.shape_cast %get3A_739 : vector<1x1x16xf32> to vector<16xf32>
              %add3A_741 = arith.addf %add3A_729, %get3A_740 : vector<16xf32>
              %get3A_742 = arith.constant 15 : i32
              %get3A_743 = arith.constant 0 : i32
              %get3A_744 = arith.constant 0 : i32
              %get3A_745 = arith.constant 0 : i32
              %get3A_746 = tpu.memref_slice %run_scoped3A[%rem3A_248, %get3A_743, %get3A_744, %get3A_745] : memref<2x8x16x256xf32, #tpu.memory_space<vmem>> -> memref<1x8x16x256xf32, #tpu.memory_space<vmem>>
              %get3A_747 = tpu.memref_squeeze %get3A_746 : memref<1x8x16x256xf32, #tpu.memory_space<vmem>> -> memref<8x16x256xf32, #tpu.memory_space<vmem>>
              %get3A_748 = arith.index_cast %add3A_347 : i32 to index
              %get3A_749 = arith.index_cast %get3A_742 : i32 to index
              %get3A_750 = arith.index_cast %add3A_562 : i32 to index
              %get3A_751 = tpu.vector_load %get3A_747[%get3A_748, %get3A_749, %get3A_750] {strides = array<i32>} : memref<8x16x256xf32, #tpu.memory_space<vmem>>, vector<1x1x16xf32>,
              %get3A_752 = vector.shape_cast %get3A_751 : vector<1x1x16xf32> to vector<16xf32>
              %add3A_753 = arith.addf %add3A_741, %get3A_752 : vector<16xf32>
              %mul3A_754 = arith.constant 6.250000e-02 : f32
              %mul3A_755 = vector.broadcast %mul3A_754 : f32 to vector<16xf32>
              %mul3A_756 = arith.mulf %add3A_753, %mul3A_755 : vector<16xf32>
              %swap3A_757 = arith.constant 0 : i32
              %swap3A_758 = arith.constant 0 : i32
              %swap3A_759 = tpu.memref_slice %run_scoped3A_18[%rem3A_250, %swap3A_757, %swap3A_758] : memref<2x8x256xf32, #tpu.memory_space<vmem>> -> memref<1x8x256xf32, #tpu.memory_space<vmem>>
              %swap3A_760 = tpu.memref_squeeze %swap3A_759 : memref<1x8x256xf32, #tpu.memory_space<vmem>> -> memref<8x256xf32, #tpu.memory_space<vmem>>
              %swap3A_761 = arith.index_cast %add3A_347 : i32 to index
              %swap3A_762 = arith.index_cast %add3A_562 : i32 to index
              %swap3A_763 = tpu.vector_load %swap3A_760[%swap3A_761, %swap3A_762] {strides = array<i32>} : memref<8x256xf32, #tpu.memory_space<vmem>>, vector<1x16xf32>,
              %swap3A_764 = vector.shape_cast %swap3A_763 : vector<1x16xf32> to vector<16xf32>
              %swap3A_765 = vector.shape_cast %mul3A_756 : vector<16xf32> to vector<1x16xf32>
              tpu.vector_store %swap3A_760[%swap3A_761, %swap3A_762], %swap3A_765 {strides = array<i32>} : memref<8x256xf32, #tpu.memory_space<vmem>>, vector<1x16xf32>,
            }
            %scan3A_352 = arith.constant 8 : i32
          }
          %scan3A_254 = arith.constant 8 : i32
          "tpu.trace_stop"() : () -> ()
          %add3A_255 = arith.constant 1050 : i32
          %add3A_256 = arith.addi %add3A_161, %add3A_255 : i32
          %add3A_257 = arith.constant 1050 : i32
          %add3A_258 = arith.addi %add3A_179, %add3A_257 : i32
          %ne3A_259 = arith.cmpi ne, %add3A_256, %add3A_258 : i32
          %or3A_260 = arith.constant false
          %or3A_261 = arith.ori %or3A_260, %ne3A_259 : i1
          %or3A_262 = arith.constant false
          %or3A_263 = arith.ori %or3A_261, %or3A_262 : i1
          %or3A_264 = arith.constant false
          %or3A_265 = arith.ori %or3A_263, %or3A_264 : i1
          %or3A_266 = arith.ori %or3A_265, %eq3A_160 : i1
          %convert_element_type3A_267 = arith.extui %or3A_266 : i1 to i32
          %cond3A_268 = arith.constant 0 : i32
          %cond3A_269 = arith.cmpi ne, %convert_element_type3A_267, %cond3A_268 : i32
          scf.if %cond3A_269 {
          } else {
          }
          %and3A_270 = arith.constant false
          %and3A_271 = arith.andi %or3A_266, %and3A_270 : i1
          %ne3A_272 = arith.cmpi ne, %add3A_161, %add3A_179 : i32
          %or3A_273 = arith.constant false
          %or3A_274 = arith.ori %or3A_273, %ne3A_272 : i1
          %or3A_275 = arith.constant false
          %or3A_276 = arith.ori %or3A_274, %or3A_275 : i1
          %or3A_277 = arith.ori %or3A_276, %eq3A_160 : i1
          %convert_element_type3A_278 = arith.extui %or3A_277 : i1 to i32
          %cond3A_279 = arith.constant 0 : i32
          %cond3A_280 = arith.cmpi ne, %convert_element_type3A_278, %cond3A_279 : i32
          scf.if %cond3A_280 {
            "tpu.trace_start"() <{level = 10 : i32, message = "ep_copy_out"}> : () -> ()
            %rem3A_343 = arith.constant 2 : i32
            %rem3A_344 = arith.remui %while3A_151, %rem3A_343 : i32
            %mul3A_345 = arith.constant 8 : i32
            %mul3A_346 = arith.muli %mul3A_345, %add3A_161 : i32
            %dma_start3A_347 = arith.constant 0 : i32
            %dma_start3A_348 = arith.constant 0 : i32
            %dma_start3A_349 = tpu.memref_slice %run_scoped3A_18[%rem3A_344, %dma_start3A_347, %dma_start3A_348] : memref<2x8x256xf32, #tpu.memory_space<vmem>> -> memref<1x8x256xf32, #tpu.memory_space<vmem>>
            %dma_start3A_350 = tpu.memref_squeeze %dma_start3A_349 : memref<1x8x256xf32, #tpu.memory_space<vmem>> -> memref<8x256xf32, #tpu.memory_space<vmem>>
            %dma_start3A_351 = arith.constant 0 : i32
            %dma_start3A_352 = tpu.memref_slice %arg3[%mul3A_346, %dma_start3A_351] : memref<1600x256xf32, #tpu.memory_space<hbm>> -> memref<8x256xf32, #tpu.memory_space<hbm>>
            %dma_start3A_353 = tpu.memref_slice %run_scoped3A_19[%rem3A_344] : memref<2x!tpu.dma_semaphore, #tpu.memory_space<semaphore_mem>> -> memref<1x!tpu.dma_semaphore, #tpu.memory_space<semaphore_mem>>
            %dma_start3A_354 = tpu.memref_squeeze %dma_start3A_353 : memref<1x!tpu.dma_semaphore, #tpu.memory_space<semaphore_mem>> -> memref<!tpu.dma_semaphore, #tpu.memory_space<semaphore_mem>>
            %dma_start3A_355 = arith.constant 0 : i32
            %dma_start3A_356 = tpu.memref_slice %arg3[%mul3A_346, %dma_start3A_355] : memref<1600x256xf32, #tpu.memory_space<hbm>> -> memref<8x256xf32, #tpu.memory_space<hbm>>
            %dma_start3A_357 = arith.constant 0 : i32
            %dma_start3A_358 = arith.constant 0 : i32
            %dma_start3A_359 = tpu.memref_slice %run_scoped3A_18[%rem3A_344, %dma_start3A_357, %dma_start3A_358] : memref<2x8x256xf32, #tpu.memory_space<vmem>> -> memref<1x8x256xf32, #tpu.memory_space<vmem>>
            %dma_start3A_360 = tpu.memref_squeeze %dma_start3A_359 : memref<1x8x256xf32, #tpu.memory_space<vmem>> -> memref<8x256xf32, #tpu.memory_space<vmem>>
            tpu.enqueue_dma source(%dma_start3A_360 : memref<8x256xf32, #tpu.memory_space<vmem>>) target(%dma_start3A_356 : memref<8x256xf32, #tpu.memory_space<hbm>>) target_semaphore(%dma_start3A_354 : memref<!tpu.dma_semaphore, #tpu.memory_space<semaphore_mem>>)
            "tpu.trace_stop"() : () -> ()
          } else {
          }
          %and3A_281 = arith.constant true
          %and3A_282 = arith.andi %or3A_277, %and3A_281 : i1
          %add3A_283 = arith.constant 1 : i32
          %add3A_284 = arith.addi %while3A_151, %add3A_283 : i32
          %select_n3A_285 = arith.select %and3A_282, %add3A_284, %while3A_151 : i32
          %add3A_286 = arith.constant 1050 : i32
          %add3A_287 = arith.addi %add3A_161, %add3A_286 : i32
          %add3A_288 = arith.constant 1050 : i32
          %add3A_289 = arith.addi %add3A_171, %add3A_288 : i32
          %ne3A_290 = arith.cmpi ne, %add3A_287, %add3A_289 : i32
          %or3A_291 = arith.constant false
          %or3A_292 = arith.ori %or3A_291, %ne3A_290 : i1
          %or3A_293 = arith.constant false
          %or3A_294 = arith.ori %or3A_292, %or3A_293 : i1
          %or3A_295 = arith.constant false
          %or3A_296 = arith.ori %or3A_294, %or3A_295 : i1
          %not3A_297 = arith.constant true
          %not3A_298 = arith.xori %eq3A_157, %not3A_297 : i1
          %and3A_299 = arith.andi %or3A_296, %not3A_298 : i1
          %convert_element_type3A_300 = arith.extui %and3A_299 : i1 to i32
          %cond3A_301 = arith.constant 0 : i32
          %cond3A_302 = arith.cmpi ne, %convert_element_type3A_300, %cond3A_301 : i32
          scf.if %cond3A_302 {
          } else {
          }
          %and3A_303 = arith.constant false
          %and3A_304 = arith.andi %and3A_299, %and3A_303 : i1
          %ne3A_305 = arith.cmpi ne, %add3A_161, %add3A_171 : i32
          %or3A_306 = arith.constant false
          %or3A_307 = arith.ori %or3A_306, %ne3A_305 : i1
          %or3A_308 = arith.constant false
          %or3A_309 = arith.ori %or3A_307, %or3A_308 : i1
          %not3A_310 = arith.constant true
          %not3A_311 = arith.xori %eq3A_157, %not3A_310 : i1
          %and3A_312 = arith.andi %or3A_309, %not3A_311 : i1
          %convert_element_type3A_313 = arith.extui %and3A_312 : i1 to i32
          %cond3A_314 = arith.constant 0 : i32
          %cond3A_315 = arith.cmpi ne, %convert_element_type3A_313, %cond3A_314 : i32
          scf.if %cond3A_315 {
            "tpu.trace_start"() <{level = 10 : i32, message = "ep_wait_out"}> : () -> ()
            %rem3A_343 = arith.constant 2 : i32
            %rem3A_344 = arith.remui %while3A_152, %rem3A_343 : i32
            %mul3A_345 = arith.constant 8 : i32
            %mul3A_346 = arith.muli %mul3A_345, %add3A_171 : i32
            %dma_wait3A = arith.constant 0 : i32
            %dma_wait3A_347 = arith.constant 0 : i32
            %dma_wait3A_348 = tpu.memref_slice %run_scoped3A_18[%rem3A_344, %dma_wait3A, %dma_wait3A_347] : memref<2x8x256xf32, #tpu.memory_space<vmem>> -> memref<1x8x256xf32, #tpu.memory_space<vmem>>
            %dma_wait3A_349 = tpu.memref_squeeze %dma_wait3A_348 : memref<1x8x256xf32, #tpu.memory_space<vmem>> -> memref<8x256xf32, #tpu.memory_space<vmem>>
            %dma_wait3A_350 = arith.constant 0 : i32
            %dma_wait3A_351 = tpu.memref_slice %arg3[%mul3A_346, %dma_wait3A_350] : memref<1600x256xf32, #tpu.memory_space<hbm>> -> memref<8x256xf32, #tpu.memory_space<hbm>>
            %dma_wait3A_352 = tpu.memref_slice %run_scoped3A_19[%rem3A_344] : memref<2x!tpu.dma_semaphore, #tpu.memory_space<semaphore_mem>> -> memref<1x!tpu.dma_semaphore, #tpu.memory_space<semaphore_mem>>
            %dma_wait3A_353 = tpu.memref_squeeze %dma_wait3A_352 : memref<1x!tpu.dma_semaphore, #tpu.memory_space<semaphore_mem>> -> memref<!tpu.dma_semaphore, #tpu.memory_space<semaphore_mem>>
            %dma_wait3A_354 = arith.constant 0 : i32
            %dma_wait3A_355 = tpu.memref_slice %arg3[%mul3A_346, %dma_wait3A_354] : memref<1600x256xf32, #tpu.memory_space<hbm>> -> memref<8x256xf32, #tpu.memory_space<hbm>>
            %dma_wait3A_356 = arith.constant 0 : i32
            %dma_wait3A_357 = arith.constant 0 : i32
            %dma_wait3A_358 = tpu.memref_slice %run_scoped3A_18[%rem3A_344, %dma_wait3A_356, %dma_wait3A_357] : memref<2x8x256xf32, #tpu.memory_space<vmem>> -> memref<1x8x256xf32, #tpu.memory_space<vmem>>
            %dma_wait3A_359 = tpu.memref_squeeze %dma_wait3A_358 : memref<1x8x256xf32, #tpu.memory_space<vmem>> -> memref<8x256xf32, #tpu.memory_space<vmem>>
            tpu.wait_dma2 semaphore(%dma_wait3A_353 : memref<!tpu.dma_semaphore, #tpu.memory_space<semaphore_mem>>) src(%dma_wait3A_359 : memref<8x256xf32, #tpu.memory_space<vmem>>) dst(%dma_wait3A_355 : memref<8x256xf32, #tpu.memory_space<hbm>>)
            "tpu.trace_stop"() : () -> ()
          } else {
          }
          %and3A_316 = arith.constant true
          %and3A_317 = arith.andi %and3A_312, %and3A_316 : i1
          %add3A_318 = arith.constant 1 : i32
          %add3A_319 = arith.addi %while3A_152, %add3A_318 : i32
          %select_n3A_320 = arith.select %and3A_317, %add3A_319, %while3A_152 : i32
          %add3A_321 = arith.constant 1050 : i32
          %add3A_322 = arith.addi %add3A_161, %add3A_321 : i32
          %add3A_323 = arith.constant 1050 : i32
          %add3A_324 = arith.addi %add3A_179, %add3A_323 : i32
          %ne3A_325 = arith.cmpi ne, %add3A_322, %add3A_324 : i32
          %or3A_326 = arith.constant false
          %or3A_327 = arith.ori %or3A_326, %ne3A_325 : i1
          %or3A_328 = arith.constant false
          %or3A_329 = arith.ori %or3A_327, %or3A_328 : i1
          %or3A_330 = arith.constant false
          %or3A_331 = arith.ori %or3A_329, %or3A_330 : i1
          %or3A_332 = arith.ori %or3A_331, %eq3A_160 : i1
          %add3A_333 = arith.constant 1 : i32
          %add3A_334 = arith.addi %while3A_150, %add3A_333 : i32
          %select_n3A_335 = arith.select %or3A_332, %add3A_334, %while3A_150 : i32
          %add3A_336 = arith.constant 1 : i32
          %add3A_337 = arith.addi %while3A_153, %add3A_336 : i32
          %select_n3A_338 = arith.constant true
          %select_n3A_339 = arith.select %select_n3A_338, %add3A_337, %while3A_153 : i32
          %eq3A_340 = arith.cmpi eq, %select_n3A_339, %select_n3A : i32
          %select_n3A_341 = arith.constant 0 : i32
          %select_n3A_342 = arith.select %eq3A_340, %select_n3A_341, %select_n3A_339 : i32
          scf.yield %select_n3A_209, %select_n3A_335, %select_n3A_285, %select_n3A_320, %select_n3A_342 : i32, i32, i32, i32, i32
        }
        %while3A_95 = arith.constant 1 : i32
        %while3A_96:5 = scf.for %while3A_148 = %while3A_92 to %while3A_88 step %while3A_95 iter_args(%while3A_149 = %while3A_94#0, %while3A_150 = %while3A_94#1, %while3A_151 = %while3A_94#2, %while3A_152 = %while3A_94#3, %while3A_153 = %while3A_94#4) -> (i32, i32, i32, i32, i32)  : i32 {
          %mul3A_154 = arith.constant 1 : i32
          %mul3A_155 = arith.muli %mul3A_154, %select_n3A : i32
          %eq3A_156 = arith.constant 0 : i32
          %eq3A_157 = arith.cmpi eq, %while3A_148, %eq3A_156 : i32
          %sub3A_158 = arith.constant 1 : i32
          %sub3A_159 = arith.subi %mul3A_155, %sub3A_158 : i32
          %eq3A_160 = arith.cmpi eq, %while3A_148, %sub3A_159 : i32
          %add3A_161 = arith.addi %while3A_153, %select_n3A_14 : i32
          %sub3A_162 = arith.constant 1 : i32
          %sub3A_163 = arith.subi %while3A_153, %sub3A_162 : i32
          %select_n3A_164 = arith.constant true
          %select_n3A_165 = arith.select %select_n3A_164, %sub3A_163, %while3A_153 : i32
          %eq3A_166 = arith.constant -1 : i32
          %eq3A_167 = arith.cmpi eq, %select_n3A_165, %eq3A_166 : i32
          %sub3A_168 = arith.constant 1 : i32
          %sub3A_169 = arith.subi %select_n3A, %sub3A_168 : i32
          %select_n3A_170 = arith.select %eq3A_167, %sub3A_169, %select_n3A_165 : i32
          %add3A_171 = arith.addi %select_n3A_170, %select_n3A_14 : i32
          %add3A_172 = arith.constant 1 : i32
          %add3A_173 = arith.addi %while3A_153, %add3A_172 : i32
          %select_n3A_174 = arith.constant true
          %select_n3A_175 = arith.select %select_n3A_174, %add3A_173, %while3A_153 : i32
          %eq3A_176 = arith.cmpi eq, %select_n3A_175, %select_n3A : i32
          %select_n3A_177 = arith.constant 0 : i32
          %select_n3A_178 = arith.select %eq3A_176, %select_n3A_177, %select_n3A_175 : i32
          %add3A_179 = arith.addi %select_n3A_178, %select_n3A_14 : i32
          %add3A_180 = arith.constant 1 : i32
          %add3A_181 = arith.addi %select_n3A_178, %add3A_180 : i32
          %select_n3A_182 = arith.constant true
          %select_n3A_183 = arith.select %select_n3A_182, %add3A_181, %select_n3A_178 : i32
          %eq3A_184 = arith.cmpi eq, %select_n3A_183, %select_n3A : i32
          %select_n3A_185 = arith.constant 0 : i32
          %select_n3A_186 = arith.select %eq3A_184, %select_n3A_185, %select_n3A_183 : i32
          %add3A_187 = arith.addi %select_n3A_186, %select_n3A_14 : i32
          %add3A_188 = arith.constant 1050 : i32
          %add3A_189 = arith.addi %add3A_161, %add3A_188 : i32
          %add3A_190 = arith.constant 1050 : i32
          %add3A_191 = arith.addi %add3A_179, %add3A_190 : i32
          %ne3A = arith.cmpi ne, %add3A_189, %add3A_191 : i32
          %or3A = arith.constant false
          %or3A_192 = arith.ori %or3A, %ne3A : i1
          %or3A_193 = arith.constant false
          %or3A_194 = arith.ori %or3A_192, %or3A_193 : i1
          %or3A_195 = arith.constant false
          %or3A_196 = arith.ori %or3A_194, %or3A_195 : i1
          %sub3A_197 = arith.constant 2 : i32
          %sub3A_198 = arith.subi %mul3A_155, %sub3A_197 : i32
          %add3A_199 = arith.constant 1 : i32
          %add3A_200 = arith.addi %sub3A_198, %add3A_199 : i32
          %ge3A = arith.cmpi sge, %while3A_148, %add3A_200 : i32
          %not3A = arith.constant true
          %not3A_201 = arith.xori %ge3A, %not3A : i1
          %and3A = arith.andi %or3A_196, %not3A_201 : i1
          %convert_element_type3A_202 = arith.extui %and3A : i1 to i32
          %cond3A_203 = arith.constant 0 : i32
          %cond3A_204 = arith.cmpi ne, %convert_element_type3A_202, %cond3A_203 : i32
          scf.if %cond3A_204 {
            "tpu.trace_start"() <{level = 10 : i32, message = "ep_copy_in"}> : () -> ()
            %rem3A_343 = arith.constant 2 : i32
            %rem3A_344 = arith.remui %while3A_149, %rem3A_343 : i32
            %add3A_345 = arith.constant 1050 : i32
            %add3A_346 = arith.addi %add3A_179, %add3A_345 : i32
            %mul3A_347 = arith.constant 8 : i32
            %mul3A_348 = arith.muli %mul3A_347, %add3A_346 : i32
            %dma_start3A_349 = arith.constant 0 : i32
            %dma_start3A_350 = arith.constant 0 : i32
            %dma_start3A_351 = arith.constant 0 : i32
            %dma_start3A_352 = tpu.memref_slice %run_scoped3A[%rem3A_344, %dma_start3A_349, %dma_start3A_350, %dma_start3A_351] : memref<2x8x16x256xf32, #tpu.memory_space<vmem>> -> memref<1x8x16x256xf32, #tpu.memory_space<vmem>>
            %dma_start3A_353 = tpu.memref_squeeze %dma_start3A_352 : memref<1x8x16x256xf32, #tpu.memory_space<vmem>> -> memref<8x16x256xf32, #tpu.memory_space<vmem>>
            %dma_start3A_354 = arith.constant 0 : i32
            %dma_start3A_355 = arith.constant 0 : i32
            %dma_start3A_356 = tpu.memref_slice %arg2[%mul3A_348, %dma_start3A_354, %dma_start3A_355] : memref<10000x16x256xf32, #tpu.memory_space<hbm>> -> memref<8x16x256xf32, #tpu.memory_space<hbm>>
            %dma_start3A_357 = tpu.memref_slice %run_scoped3A_17[%rem3A_344] : memref<2x!tpu.dma_semaphore, #tpu.memory_space<semaphore_mem>> -> memref<1x!tpu.dma_semaphore, #tpu.memory_space<semaphore_mem>>
            %dma_start3A_358 = tpu.memref_squeeze %dma_start3A_357 : memref<1x!tpu.dma_semaphore, #tpu.memory_space<semaphore_mem>> -> memref<!tpu.dma_semaphore, #tpu.memory_space<semaphore_mem>>
            %dma_start3A_359 = arith.constant 0 : i32
            %dma_start3A_360 = arith.constant 0 : i32
            %dma_start3A_361 = arith.constant 0 : i32
            %dma_start3A_362 = tpu.memref_slice %run_scoped3A[%rem3A_344, %dma_start3A_359, %dma_start3A_360, %dma_start3A_361] : memref<2x8x16x256xf32, #tpu.memory_space<vmem>> -> memref<1x8x16x256xf32, #tpu.memory_space<vmem>>
            %dma_start3A_363 = tpu.memref_squeeze %dma_start3A_362 : memref<1x8x16x256xf32, #tpu.memory_space<vmem>> -> memref<8x16x256xf32, #tpu.memory_space<vmem>>
            %dma_start3A_364 = arith.constant 0 : i32
            %dma_start3A_365 = arith.constant 0 : i32
            %dma_start3A_366 = tpu.memref_slice %arg2[%mul3A_348, %dma_start3A_364, %dma_start3A_365] : memref<10000x16x256xf32, #tpu.memory_space<hbm>> -> memref<8x16x256xf32, #tpu.memory_space<hbm>>
            tpu.enqueue_dma source(%dma_start3A_366 : memref<8x16x256xf32, #tpu.memory_space<hbm>>) target(%dma_start3A_363 : memref<8x16x256xf32, #tpu.memory_space<vmem>>) target_semaphore(%dma_start3A_358 : memref<!tpu.dma_semaphore, #tpu.memory_space<semaphore_mem>>)
            "tpu.trace_stop"() : () -> ()
          } else {
          }
          %and3A_205 = arith.constant true
          %and3A_206 = arith.andi %and3A, %and3A_205 : i1
          %add3A_207 = arith.constant 1 : i32
          %add3A_208 = arith.addi %while3A_149, %add3A_207 : i32
          %select_n3A_209 = arith.select %and3A_206, %add3A_208, %while3A_149 : i32
          %ne3A_210 = arith.cmpi ne, %add3A_161, %add3A_179 : i32
          %or3A_211 = arith.constant false
          %or3A_212 = arith.ori %or3A_211, %ne3A_210 : i1
          %or3A_213 = arith.constant false
          %or3A_214 = arith.ori %or3A_212, %or3A_213 : i1
          %sub3A_215 = arith.constant 2 : i32
          %sub3A_216 = arith.subi %mul3A_155, %sub3A_215 : i32
          %add3A_217 = arith.constant 1 : i32
          %add3A_218 = arith.addi %sub3A_216, %add3A_217 : i32
          %ge3A_219 = arith.cmpi sge, %while3A_148, %add3A_218 : i32
          %not3A_220 = arith.constant true
          %not3A_221 = arith.xori %ge3A_219, %not3A_220 : i1
          %and3A_222 = arith.andi %or3A_214, %not3A_221 : i1
          %add3A_223 = arith.constant 1050 : i32
          %add3A_224 = arith.addi %add3A_161, %add3A_223 : i32
          %add3A_225 = arith.constant 1050 : i32
          %add3A_226 = arith.addi %add3A_171, %add3A_225 : i32
          %ne3A_227 = arith.cmpi ne, %add3A_224, %add3A_226 : i32
          %or3A_228 = arith.constant false
          %or3A_229 = arith.ori %or3A_228, %ne3A_227 : i1
          %or3A_230 = arith.constant false
          %or3A_231 = arith.ori %or3A_229, %or3A_230 : i1
          %or3A_232 = arith.constant false
          %or3A_233 = arith.ori %or3A_231, %or3A_232 : i1
          %or3A_234 = arith.ori %or3A_233, %eq3A_157 : i1
          %convert_element_type3A_235 = arith.extui %or3A_234 : i1 to i32
          %cond3A_236 = arith.constant 0 : i32
          %cond3A_237 = arith.cmpi ne, %convert_element_type3A_235, %cond3A_236 : i32
          scf.if %cond3A_237 {
            "tpu.trace_start"() <{level = 10 : i32, message = "ep_wait_in"}> : () -> ()
            %add3A_343 = arith.constant 1050 : i32
            %add3A_344 = arith.addi %add3A_161, %add3A_343 : i32
            %mul3A_345 = arith.constant 8 : i32
            %mul3A_346 = arith.muli %mul3A_345, %add3A_344 : i32
            %rem3A_347 = arith.constant 2 : i32
            %rem3A_348 = arith.remui %while3A_150, %rem3A_347 : i32
            %dma_wait3A = arith.constant 0 : i32
            %dma_wait3A_349 = arith.constant 0 : i32
            %dma_wait3A_350 = arith.constant 0 : i32
            %dma_wait3A_351 = tpu.memref_slice %run_scoped3A[%rem3A_348, %dma_wait3A, %dma_wait3A_349, %dma_wait3A_350] : memref<2x8x16x256xf32, #tpu.memory_space<vmem>> -> memref<1x8x16x256xf32, #tpu.memory_space<vmem>>
            %dma_wait3A_352 = tpu.memref_squeeze %dma_wait3A_351 : memref<1x8x16x256xf32, #tpu.memory_space<vmem>> -> memref<8x16x256xf32, #tpu.memory_space<vmem>>
            %dma_wait3A_353 = arith.constant 0 : i32
            %dma_wait3A_354 = arith.constant 0 : i32
            %dma_wait3A_355 = tpu.memref_slice %arg2[%mul3A_346, %dma_wait3A_353, %dma_wait3A_354] : memref<10000x16x256xf32, #tpu.memory_space<hbm>> -> memref<8x16x256xf32, #tpu.memory_space<hbm>>
            %dma_wait3A_356 = tpu.memref_slice %run_scoped3A_17[%rem3A_348] : memref<2x!tpu.dma_semaphore, #tpu.memory_space<semaphore_mem>> -> memref<1x!tpu.dma_semaphore, #tpu.memory_space<semaphore_mem>>
            %dma_wait3A_357 = tpu.memref_squeeze %dma_wait3A_356 : memref<1x!tpu.dma_semaphore, #tpu.memory_space<semaphore_mem>> -> memref<!tpu.dma_semaphore, #tpu.memory_space<semaphore_mem>>
            %dma_wait3A_358 = arith.constant 0 : i32
            %dma_wait3A_359 = arith.constant 0 : i32
            %dma_wait3A_360 = arith.constant 0 : i32
            %dma_wait3A_361 = tpu.memref_slice %run_scoped3A[%rem3A_348, %dma_wait3A_358, %dma_wait3A_359, %dma_wait3A_360] : memref<2x8x16x256xf32, #tpu.memory_space<vmem>> -> memref<1x8x16x256xf32, #tpu.memory_space<vmem>>
            %dma_wait3A_362 = tpu.memref_squeeze %dma_wait3A_361 : memref<1x8x16x256xf32, #tpu.memory_space<vmem>> -> memref<8x16x256xf32, #tpu.memory_space<vmem>>
            %dma_wait3A_363 = arith.constant 0 : i32
            %dma_wait3A_364 = arith.constant 0 : i32
            %dma_wait3A_365 = tpu.memref_slice %arg2[%mul3A_346, %dma_wait3A_363, %dma_wait3A_364] : memref<10000x16x256xf32, #tpu.memory_space<hbm>> -> memref<8x16x256xf32, #tpu.memory_space<hbm>>
            tpu.wait_dma2 semaphore(%dma_wait3A_357 : memref<!tpu.dma_semaphore, #tpu.memory_space<semaphore_mem>>) src(%dma_wait3A_365 : memref<8x16x256xf32, #tpu.memory_space<hbm>>) dst(%dma_wait3A_362 : memref<8x16x256xf32, #tpu.memory_space<vmem>>)
            "tpu.trace_stop"() : () -> ()
          } else {
          }
          %ne3A_238 = arith.cmpi ne, %add3A_161, %add3A_171 : i32
          %or3A_239 = arith.constant false
          %or3A_240 = arith.ori %or3A_239, %ne3A_238 : i1
          %or3A_241 = arith.constant false
          %or3A_242 = arith.ori %or3A_240, %or3A_241 : i1
          %or3A_243 = arith.ori %or3A_242, %eq3A_157 : i1
          %convert_element_type3A_244 = arith.extui %or3A_243 : i1 to i32
          %cond3A_245 = arith.constant 0 : i32
          %cond3A_246 = arith.cmpi ne, %convert_element_type3A_244, %cond3A_245 : i32
          scf.if %cond3A_246 {
          } else {
          }
          %rem3A_247 = arith.constant 2 : i32
          %rem3A_248 = arith.remui %while3A_150, %rem3A_247 : i32
          %rem3A_249 = arith.constant 2 : i32
          %rem3A_250 = arith.remui %while3A_151, %rem3A_249 : i32
          "tpu.trace_start"() <{level = 10 : i32, message = "ep_run_kernel"}> : () -> ()
          %scan3A = arith.constant 0 : i32
          %scan3A_251 = arith.constant 8 : i32
          %scan3A_252 = arith.addi %scan3A, %scan3A_251 : i32
          %scan3A_253 = arith.constant 1 : i32
          scf.for %scan3A_343 = %scan3A to %scan3A_252 step %scan3A_253  : i32 {
            %mul3A_344 = arith.constant 1 : i32
            %mul3A_345 = arith.muli %scan3A_343, %mul3A_344 : i32
            %add3A_346 = arith.constant 0 : i32
            %add3A_347 = arith.addi %add3A_346, %mul3A_345 : i32
            %scan3A_348 = arith.constant 0 : i32
            %scan3A_349 = arith.constant 8 : i32
            %scan3A_350 = arith.addi %scan3A_348, %scan3A_349 : i32
            %scan3A_351 = arith.constant 1 : i32
            scf.for %scan3A_353 = %scan3A_348 to %scan3A_350 step %scan3A_351  : i32 {
              %mul3A_354 = arith.constant 32 : i32
              %mul3A_355 = arith.muli %scan3A_353, %mul3A_354 : i32
              %add3A_356 = arith.constant 0 : i32
              %add3A_357 = arith.addi %add3A_356, %mul3A_355 : i32
              %add3A_358 = arith.constant 0 : i32
              %add3A_359 = arith.addi %add3A_357, %add3A_358 : i32
              %get3A = arith.constant 0 : i32
              %get3A_360 = arith.constant 0 : i32
              %get3A_361 = arith.constant 0 : i32
              %get3A_362 = arith.constant 0 : i32
              %get3A_363 = tpu.memref_slice %run_scoped3A[%rem3A_248, %get3A_360, %get3A_361, %get3A_362] : memref<2x8x16x256xf32, #tpu.memory_space<vmem>> -> memref<1x8x16x256xf32, #tpu.memory_space<vmem>>
              %get3A_364 = tpu.memref_squeeze %get3A_363 : memref<1x8x16x256xf32, #tpu.memory_space<vmem>> -> memref<8x16x256xf32, #tpu.memory_space<vmem>>
              %get3A_365 = arith.index_cast %add3A_347 : i32 to index
              %get3A_366 = arith.index_cast %get3A : i32 to index
              %get3A_367 = arith.index_cast %add3A_359 : i32 to index
              %get3A_368 = tpu.vector_load %get3A_364[%get3A_365, %get3A_366, %get3A_367] {strides = array<i32>} : memref<8x16x256xf32, #tpu.memory_space<vmem>>, vector<1x1x16xf32>,
              %get3A_369 = vector.shape_cast %get3A_368 : vector<1x1x16xf32> to vector<16xf32>
              %get3A_370 = arith.constant 1 : i32
              %get3A_371 = arith.constant 0 : i32
              %get3A_372 = arith.constant 0 : i32
              %get3A_373 = arith.constant 0 : i32
              %get3A_374 = tpu.memref_slice %run_scoped3A[%rem3A_248, %get3A_371, %get3A_372, %get3A_373] : memref<2x8x16x256xf32, #tpu.memory_space<vmem>> -> memref<1x8x16x256xf32, #tpu.memory_space<vmem>>
              %get3A_375 = tpu.memref_squeeze %get3A_374 : memref<1x8x16x256xf32, #tpu.memory_space<vmem>> -> memref<8x16x256xf32, #tpu.memory_space<vmem>>
              %get3A_376 = arith.index_cast %add3A_347 : i32 to index
              %get3A_377 = arith.index_cast %get3A_370 : i32 to index
              %get3A_378 = arith.index_cast %add3A_359 : i32 to index
              %get3A_379 = tpu.vector_load %get3A_375[%get3A_376, %get3A_377, %get3A_378] {strides = array<i32>} : memref<8x16x256xf32, #tpu.memory_space<vmem>>, vector<1x1x16xf32>,
              %get3A_380 = vector.shape_cast %get3A_379 : vector<1x1x16xf32> to vector<16xf32>
              %add3A_381 = arith.addf %get3A_369, %get3A_380 : vector<16xf32>
              %get3A_382 = arith.constant 2 : i32
              %get3A_383 = arith.constant 0 : i32
              %get3A_384 = arith.constant 0 : i32
              %get3A_385 = arith.constant 0 : i32
              %get3A_386 = tpu.memref_slice %run_scoped3A[%rem3A_248, %get3A_383, %get3A_384, %get3A_385] : memref<2x8x16x256xf32, #tpu.memory_space<vmem>> -> memref<1x8x16x256xf32, #tpu.memory_space<vmem>>
              %get3A_387 = tpu.memref_squeeze %get3A_386 : memref<1x8x16x256xf32, #tpu.memory_space<vmem>> -> memref<8x16x256xf32, #tpu.memory_space<vmem>>
              %get3A_388 = arith.index_cast %add3A_347 : i32 to index
              %get3A_389 = arith.index_cast %get3A_382 : i32 to index
              %get3A_390 = arith.index_cast %add3A_359 : i32 to index
              %get3A_391 = tpu.vector_load %get3A_387[%get3A_388, %get3A_389, %get3A_390] {strides = array<i32>} : memref<8x16x256xf32, #tpu.memory_space<vmem>>, vector<1x1x16xf32>,
              %get3A_392 = vector.shape_cast %get3A_391 : vector<1x1x16xf32> to vector<16xf32>
              %add3A_393 = arith.addf %add3A_381, %get3A_392 : vector<16xf32>
              %get3A_394 = arith.constant 3 : i32
              %get3A_395 = arith.constant 0 : i32
              %get3A_396 = arith.constant 0 : i32
              %get3A_397 = arith.constant 0 : i32
              %get3A_398 = tpu.memref_slice %run_scoped3A[%rem3A_248, %get3A_395, %get3A_396, %get3A_397] : memref<2x8x16x256xf32, #tpu.memory_space<vmem>> -> memref<1x8x16x256xf32, #tpu.memory_space<vmem>>
              %get3A_399 = tpu.memref_squeeze %get3A_398 : memref<1x8x16x256xf32, #tpu.memory_space<vmem>> -> memref<8x16x256xf32, #tpu.memory_space<vmem>>
              %get3A_400 = arith.index_cast %add3A_347 : i32 to index
              %get3A_401 = arith.index_cast %get3A_394 : i32 to index
              %get3A_402 = arith.index_cast %add3A_359 : i32 to index
              %get3A_403 = tpu.vector_load %get3A_399[%get3A_400, %get3A_401, %get3A_402] {strides = array<i32>} : memref<8x16x256xf32, #tpu.memory_space<vmem>>, vector<1x1x16xf32>,
              %get3A_404 = vector.shape_cast %get3A_403 : vector<1x1x16xf32> to vector<16xf32>
              %add3A_405 = arith.addf %add3A_393, %get3A_404 : vector<16xf32>
              %get3A_406 = arith.constant 4 : i32
              %get3A_407 = arith.constant 0 : i32
              %get3A_408 = arith.constant 0 : i32
              %get3A_409 = arith.constant 0 : i32
              %get3A_410 = tpu.memref_slice %run_scoped3A[%rem3A_248, %get3A_407, %get3A_408, %get3A_409] : memref<2x8x16x256xf32, #tpu.memory_space<vmem>> -> memref<1x8x16x256xf32, #tpu.memory_space<vmem>>
              %get3A_411 = tpu.memref_squeeze %get3A_410 : memref<1x8x16x256xf32, #tpu.memory_space<vmem>> -> memref<8x16x256xf32, #tpu.memory_space<vmem>>
              %get3A_412 = arith.index_cast %add3A_347 : i32 to index
              %get3A_413 = arith.index_cast %get3A_406 : i32 to index
              %get3A_414 = arith.index_cast %add3A_359 : i32 to index
              %get3A_415 = tpu.vector_load %get3A_411[%get3A_412, %get3A_413, %get3A_414] {strides = array<i32>} : memref<8x16x256xf32, #tpu.memory_space<vmem>>, vector<1x1x16xf32>,
              %get3A_416 = vector.shape_cast %get3A_415 : vector<1x1x16xf32> to vector<16xf32>
              %add3A_417 = arith.addf %add3A_405, %get3A_416 : vector<16xf32>
              %get3A_418 = arith.constant 5 : i32
              %get3A_419 = arith.constant 0 : i32
              %get3A_420 = arith.constant 0 : i32
              %get3A_421 = arith.constant 0 : i32
              %get3A_422 = tpu.memref_slice %run_scoped3A[%rem3A_248, %get3A_419, %get3A_420, %get3A_421] : memref<2x8x16x256xf32, #tpu.memory_space<vmem>> -> memref<1x8x16x256xf32, #tpu.memory_space<vmem>>
              %get3A_423 = tpu.memref_squeeze %get3A_422 : memref<1x8x16x256xf32, #tpu.memory_space<vmem>> -> memref<8x16x256xf32, #tpu.memory_space<vmem>>
              %get3A_424 = arith.index_cast %add3A_347 : i32 to index
              %get3A_425 = arith.index_cast %get3A_418 : i32 to index
              %get3A_426 = arith.index_cast %add3A_359 : i32 to index
              %get3A_427 = tpu.vector_load %get3A_423[%get3A_424, %get3A_425, %get3A_426] {strides = array<i32>} : memref<8x16x256xf32, #tpu.memory_space<vmem>>, vector<1x1x16xf32>,
              %get3A_428 = vector.shape_cast %get3A_427 : vector<1x1x16xf32> to vector<16xf32>
              %add3A_429 = arith.addf %add3A_417, %get3A_428 : vector<16xf32>
              %get3A_430 = arith.constant 6 : i32
              %get3A_431 = arith.constant 0 : i32
              %get3A_432 = arith.constant 0 : i32
              %get3A_433 = arith.constant 0 : i32
              %get3A_434 = tpu.memref_slice %run_scoped3A[%rem3A_248, %get3A_431, %get3A_432, %get3A_433] : memref<2x8x16x256xf32, #tpu.memory_space<vmem>> -> memref<1x8x16x256xf32, #tpu.memory_space<vmem>>
              %get3A_435 = tpu.memref_squeeze %get3A_434 : memref<1x8x16x256xf32, #tpu.memory_space<vmem>> -> memref<8x16x256xf32, #tpu.memory_space<vmem>>
              %get3A_436 = arith.index_cast %add3A_347 : i32 to index
              %get3A_437 = arith.index_cast %get3A_430 : i32 to index
              %get3A_438 = arith.index_cast %add3A_359 : i32 to index
              %get3A_439 = tpu.vector_load %get3A_435[%get3A_436, %get3A_437, %get3A_438] {strides = array<i32>} : memref<8x16x256xf32, #tpu.memory_space<vmem>>, vector<1x1x16xf32>,
              %get3A_440 = vector.shape_cast %get3A_439 : vector<1x1x16xf32> to vector<16xf32>
              %add3A_441 = arith.addf %add3A_429, %get3A_440 : vector<16xf32>
              %get3A_442 = arith.constant 7 : i32
              %get3A_443 = arith.constant 0 : i32
              %get3A_444 = arith.constant 0 : i32
              %get3A_445 = arith.constant 0 : i32
              %get3A_446 = tpu.memref_slice %run_scoped3A[%rem3A_248, %get3A_443, %get3A_444, %get3A_445] : memref<2x8x16x256xf32, #tpu.memory_space<vmem>> -> memref<1x8x16x256xf32, #tpu.memory_space<vmem>>
              %get3A_447 = tpu.memref_squeeze %get3A_446 : memref<1x8x16x256xf32, #tpu.memory_space<vmem>> -> memref<8x16x256xf32, #tpu.memory_space<vmem>>
              %get3A_448 = arith.index_cast %add3A_347 : i32 to index
              %get3A_449 = arith.index_cast %get3A_442 : i32 to index
              %get3A_450 = arith.index_cast %add3A_359 : i32 to index
              %get3A_451 = tpu.vector_load %get3A_447[%get3A_448, %get3A_449, %get3A_450] {strides = array<i32>} : memref<8x16x256xf32, #tpu.memory_space<vmem>>, vector<1x1x16xf32>,
              %get3A_452 = vector.shape_cast %get3A_451 : vector<1x1x16xf32> to vector<16xf32>
              %add3A_453 = arith.addf %add3A_441, %get3A_452 : vector<16xf32>
              %get3A_454 = arith.constant 8 : i32
              %get3A_455 = arith.constant 0 : i32
              %get3A_456 = arith.constant 0 : i32
              %get3A_457 = arith.constant 0 : i32
              %get3A_458 = tpu.memref_slice %run_scoped3A[%rem3A_248, %get3A_455, %get3A_456, %get3A_457] : memref<2x8x16x256xf32, #tpu.memory_space<vmem>> -> memref<1x8x16x256xf32, #tpu.memory_space<vmem>>
              %get3A_459 = tpu.memref_squeeze %get3A_458 : memref<1x8x16x256xf32, #tpu.memory_space<vmem>> -> memref<8x16x256xf32, #tpu.memory_space<vmem>>
              %get3A_460 = arith.index_cast %add3A_347 : i32 to index
              %get3A_461 = arith.index_cast %get3A_454 : i32 to index
              %get3A_462 = arith.index_cast %add3A_359 : i32 to index
              %get3A_463 = tpu.vector_load %get3A_459[%get3A_460, %get3A_461, %get3A_462] {strides = array<i32>} : memref<8x16x256xf32, #tpu.memory_space<vmem>>, vector<1x1x16xf32>,
              %get3A_464 = vector.shape_cast %get3A_463 : vector<1x1x16xf32> to vector<16xf32>
              %add3A_465 = arith.addf %add3A_453, %get3A_464 : vector<16xf32>
              %get3A_466 = arith.constant 9 : i32
              %get3A_467 = arith.constant 0 : i32
              %get3A_468 = arith.constant 0 : i32
              %get3A_469 = arith.constant 0 : i32
              %get3A_470 = tpu.memref_slice %run_scoped3A[%rem3A_248, %get3A_467, %get3A_468, %get3A_469] : memref<2x8x16x256xf32, #tpu.memory_space<vmem>> -> memref<1x8x16x256xf32, #tpu.memory_space<vmem>>
              %get3A_471 = tpu.memref_squeeze %get3A_470 : memref<1x8x16x256xf32, #tpu.memory_space<vmem>> -> memref<8x16x256xf32, #tpu.memory_space<vmem>>
              %get3A_472 = arith.index_cast %add3A_347 : i32 to index
              %get3A_473 = arith.index_cast %get3A_466 : i32 to index
              %get3A_474 = arith.index_cast %add3A_359 : i32 to index
              %get3A_475 = tpu.vector_load %get3A_471[%get3A_472, %get3A_473, %get3A_474] {strides = array<i32>} : memref<8x16x256xf32, #tpu.memory_space<vmem>>, vector<1x1x16xf32>,
              %get3A_476 = vector.shape_cast %get3A_475 : vector<1x1x16xf32> to vector<16xf32>
              %add3A_477 = arith.addf %add3A_465, %get3A_476 : vector<16xf32>
              %get3A_478 = arith.constant 10 : i32
              %get3A_479 = arith.constant 0 : i32
              %get3A_480 = arith.constant 0 : i32
              %get3A_481 = arith.constant 0 : i32
              %get3A_482 = tpu.memref_slice %run_scoped3A[%rem3A_248, %get3A_479, %get3A_480, %get3A_481] : memref<2x8x16x256xf32, #tpu.memory_space<vmem>> -> memref<1x8x16x256xf32, #tpu.memory_space<vmem>>
              %get3A_483 = tpu.memref_squeeze %get3A_482 : memref<1x8x16x256xf32, #tpu.memory_space<vmem>> -> memref<8x16x256xf32, #tpu.memory_space<vmem>>
              %get3A_484 = arith.index_cast %add3A_347 : i32 to index
              %get3A_485 = arith.index_cast %get3A_478 : i32 to index
              %get3A_486 = arith.index_cast %add3A_359 : i32 to index
              %get3A_487 = tpu.vector_load %get3A_483[%get3A_484, %get3A_485, %get3A_486] {strides = array<i32>} : memref<8x16x256xf32, #tpu.memory_space<vmem>>, vector<1x1x16xf32>,
              %get3A_488 = vector.shape_cast %get3A_487 : vector<1x1x16xf32> to vector<16xf32>
              %add3A_489 = arith.addf %add3A_477, %get3A_488 : vector<16xf32>
              %get3A_490 = arith.constant 11 : i32
              %get3A_491 = arith.constant 0 : i32
              %get3A_492 = arith.constant 0 : i32
              %get3A_493 = arith.constant 0 : i32
              %get3A_494 = tpu.memref_slice %run_scoped3A[%rem3A_248, %get3A_491, %get3A_492, %get3A_493] : memref<2x8x16x256xf32, #tpu.memory_space<vmem>> -> memref<1x8x16x256xf32, #tpu.memory_space<vmem>>
              %get3A_495 = tpu.memref_squeeze %get3A_494 : memref<1x8x16x256xf32, #tpu.memory_space<vmem>> -> memref<8x16x256xf32, #tpu.memory_space<vmem>>
              %get3A_496 = arith.index_cast %add3A_347 : i32 to index
              %get3A_497 = arith.index_cast %get3A_490 : i32 to index
              %get3A_498 = arith.index_cast %add3A_359 : i32 to index
              %get3A_499 = tpu.vector_load %get3A_495[%get3A_496, %get3A_497, %get3A_498] {strides = array<i32>} : memref<8x16x256xf32, #tpu.memory_space<vmem>>, vector<1x1x16xf32>,
              %get3A_500 = vector.shape_cast %get3A_499 : vector<1x1x16xf32> to vector<16xf32>
              %add3A_501 = arith.addf %add3A_489, %get3A_500 : vector<16xf32>
              %get3A_502 = arith.constant 12 : i32
              %get3A_503 = arith.constant 0 : i32
              %get3A_504 = arith.constant 0 : i32
              %get3A_505 = arith.constant 0 : i32
              %get3A_506 = tpu.memref_slice %run_scoped3A[%rem3A_248, %get3A_503, %get3A_504, %get3A_505] : memref<2x8x16x256xf32, #tpu.memory_space<vmem>> -> memref<1x8x16x256xf32, #tpu.memory_space<vmem>>
              %get3A_507 = tpu.memref_squeeze %get3A_506 : memref<1x8x16x256xf32, #tpu.memory_space<vmem>> -> memref<8x16x256xf32, #tpu.memory_space<vmem>>
              %get3A_508 = arith.index_cast %add3A_347 : i32 to index
              %get3A_509 = arith.index_cast %get3A_502 : i32 to index
              %get3A_510 = arith.index_cast %add3A_359 : i32 to index
              %get3A_511 = tpu.vector_load %get3A_507[%get3A_508, %get3A_509, %get3A_510] {strides = array<i32>} : memref<8x16x256xf32, #tpu.memory_space<vmem>>, vector<1x1x16xf32>,
              %get3A_512 = vector.shape_cast %get3A_511 : vector<1x1x16xf32> to vector<16xf32>
              %add3A_513 = arith.addf %add3A_501, %get3A_512 : vector<16xf32>
              %get3A_514 = arith.constant 13 : i32
              %get3A_515 = arith.constant 0 : i32
              %get3A_516 = arith.constant 0 : i32
              %get3A_517 = arith.constant 0 : i32
              %get3A_518 = tpu.memref_slice %run_scoped3A[%rem3A_248, %get3A_515, %get3A_516, %get3A_517] : memref<2x8x16x256xf32, #tpu.memory_space<vmem>> -> memref<1x8x16x256xf32, #tpu.memory_space<vmem>>
              %get3A_519 = tpu.memref_squeeze %get3A_518 : memref<1x8x16x256xf32, #tpu.memory_space<vmem>> -> memref<8x16x256xf32, #tpu.memory_space<vmem>>
              %get3A_520 = arith.index_cast %add3A_347 : i32 to index
              %get3A_521 = arith.index_cast %get3A_514 : i32 to index
              %get3A_522 = arith.index_cast %add3A_359 : i32 to index
              %get3A_523 = tpu.vector_load %get3A_519[%get3A_520, %get3A_521, %get3A_522] {strides = array<i32>} : memref<8x16x256xf32, #tpu.memory_space<vmem>>, vector<1x1x16xf32>,
              %get3A_524 = vector.shape_cast %get3A_523 : vector<1x1x16xf32> to vector<16xf32>
              %add3A_525 = arith.addf %add3A_513, %get3A_524 : vector<16xf32>
              %get3A_526 = arith.constant 14 : i32
              %get3A_527 = arith.constant 0 : i32
              %get3A_528 = arith.constant 0 : i32
              %get3A_529 = arith.constant 0 : i32
              %get3A_530 = tpu.memref_slice %run_scoped3A[%rem3A_248, %get3A_527, %get3A_528, %get3A_529] : memref<2x8x16x256xf32, #tpu.memory_space<vmem>> -> memref<1x8x16x256xf32, #tpu.memory_space<vmem>>
              %get3A_531 = tpu.memref_squeeze %get3A_530 : memref<1x8x16x256xf32, #tpu.memory_space<vmem>> -> memref<8x16x256xf32, #tpu.memory_space<vmem>>
              %get3A_532 = arith.index_cast %add3A_347 : i32 to index
              %get3A_533 = arith.index_cast %get3A_526 : i32 to index
              %get3A_534 = arith.index_cast %add3A_359 : i32 to index
              %get3A_535 = tpu.vector_load %get3A_531[%get3A_532, %get3A_533, %get3A_534] {strides = array<i32>} : memref<8x16x256xf32, #tpu.memory_space<vmem>>, vector<1x1x16xf32>,
              %get3A_536 = vector.shape_cast %get3A_535 : vector<1x1x16xf32> to vector<16xf32>
              %add3A_537 = arith.addf %add3A_525, %get3A_536 : vector<16xf32>
              %get3A_538 = arith.constant 15 : i32
              %get3A_539 = arith.constant 0 : i32
              %get3A_540 = arith.constant 0 : i32
              %get3A_541 = arith.constant 0 : i32
              %get3A_542 = tpu.memref_slice %run_scoped3A[%rem3A_248, %get3A_539, %get3A_540, %get3A_541] : memref<2x8x16x256xf32, #tpu.memory_space<vmem>> -> memref<1x8x16x256xf32, #tpu.memory_space<vmem>>
              %get3A_543 = tpu.memref_squeeze %get3A_542 : memref<1x8x16x256xf32, #tpu.memory_space<vmem>> -> memref<8x16x256xf32, #tpu.memory_space<vmem>>
              %get3A_544 = arith.index_cast %add3A_347 : i32 to index
              %get3A_545 = arith.index_cast %get3A_538 : i32 to index
              %get3A_546 = arith.index_cast %add3A_359 : i32 to index
              %get3A_547 = tpu.vector_load %get3A_543[%get3A_544, %get3A_545, %get3A_546] {strides = array<i32>} : memref<8x16x256xf32, #tpu.memory_space<vmem>>, vector<1x1x16xf32>,
              %get3A_548 = vector.shape_cast %get3A_547 : vector<1x1x16xf32> to vector<16xf32>
              %add3A_549 = arith.addf %add3A_537, %get3A_548 : vector<16xf32>
              %mul3A_550 = arith.constant 6.250000e-02 : f32
              %mul3A_551 = vector.broadcast %mul3A_550 : f32 to vector<16xf32>
              %mul3A_552 = arith.mulf %add3A_549, %mul3A_551 : vector<16xf32>
              %swap3A = arith.constant 0 : i32
              %swap3A_553 = arith.constant 0 : i32
              %swap3A_554 = tpu.memref_slice %run_scoped3A_18[%rem3A_250, %swap3A, %swap3A_553] : memref<2x8x256xf32, #tpu.memory_space<vmem>> -> memref<1x8x256xf32, #tpu.memory_space<vmem>>
              %swap3A_555 = tpu.memref_squeeze %swap3A_554 : memref<1x8x256xf32, #tpu.memory_space<vmem>> -> memref<8x256xf32, #tpu.memory_space<vmem>>
              %swap3A_556 = arith.index_cast %add3A_347 : i32 to index
              %swap3A_557 = arith.index_cast %add3A_359 : i32 to index
              %swap3A_558 = tpu.vector_load %swap3A_555[%swap3A_556, %swap3A_557] {strides = array<i32>} : memref<8x256xf32, #tpu.memory_space<vmem>>, vector<1x16xf32>,
              %swap3A_559 = vector.shape_cast %swap3A_558 : vector<1x16xf32> to vector<16xf32>
              %swap3A_560 = vector.shape_cast %mul3A_552 : vector<16xf32> to vector<1x16xf32>
              tpu.vector_store %swap3A_555[%swap3A_556, %swap3A_557], %swap3A_560 {strides = array<i32>} : memref<8x256xf32, #tpu.memory_space<vmem>>, vector<1x16xf32>,
              %add3A_561 = arith.constant 16 : i32
              %add3A_562 = arith.addi %add3A_357, %add3A_561 : i32
              %get3A_563 = arith.constant 0 : i32
              %get3A_564 = arith.constant 0 : i32
              %get3A_565 = arith.constant 0 : i32
              %get3A_566 = arith.constant 0 : i32
              %get3A_567 = tpu.memref_slice %run_scoped3A[%rem3A_248, %get3A_564, %get3A_565, %get3A_566] : memref<2x8x16x256xf32, #tpu.memory_space<vmem>> -> memref<1x8x16x256xf32, #tpu.memory_space<vmem>>
              %get3A_568 = tpu.memref_squeeze %get3A_567 : memref<1x8x16x256xf32, #tpu.memory_space<vmem>> -> memref<8x16x256xf32, #tpu.memory_space<vmem>>
              %get3A_569 = arith.index_cast %add3A_347 : i32 to index
              %get3A_570 = arith.index_cast %get3A_563 : i32 to index
              %get3A_571 = arith.index_cast %add3A_562 : i32 to index
              %get3A_572 = tpu.vector_load %get3A_568[%get3A_569, %get3A_570, %get3A_571] {strides = array<i32>} : memref<8x16x256xf32, #tpu.memory_space<vmem>>, vector<1x1x16xf32>,
              %get3A_573 = vector.shape_cast %get3A_572 : vector<1x1x16xf32> to vector<16xf32>
              %get3A_574 = arith.constant 1 : i32
              %get3A_575 = arith.constant 0 : i32
              %get3A_576 = arith.constant 0 : i32
              %get3A_577 = arith.constant 0 : i32
              %get3A_578 = tpu.memref_slice %run_scoped3A[%rem3A_248, %get3A_575, %get3A_576, %get3A_577] : memref<2x8x16x256xf32, #tpu.memory_space<vmem>> -> memref<1x8x16x256xf32, #tpu.memory_space<vmem>>
              %get3A_579 = tpu.memref_squeeze %get3A_578 : memref<1x8x16x256xf32, #tpu.memory_space<vmem>> -> memref<8x16x256xf32, #tpu.memory_space<vmem>>
              %get3A_580 = arith.index_cast %add3A_347 : i32 to index
              %get3A_581 = arith.index_cast %get3A_574 : i32 to index
              %get3A_582 = arith.index_cast %add3A_562 : i32 to index
              %get3A_583 = tpu.vector_load %get3A_579[%get3A_580, %get3A_581, %get3A_582] {strides = array<i32>} : memref<8x16x256xf32, #tpu.memory_space<vmem>>, vector<1x1x16xf32>,
              %get3A_584 = vector.shape_cast %get3A_583 : vector<1x1x16xf32> to vector<16xf32>
              %add3A_585 = arith.addf %get3A_573, %get3A_584 : vector<16xf32>
              %get3A_586 = arith.constant 2 : i32
              %get3A_587 = arith.constant 0 : i32
              %get3A_588 = arith.constant 0 : i32
              %get3A_589 = arith.constant 0 : i32
              %get3A_590 = tpu.memref_slice %run_scoped3A[%rem3A_248, %get3A_587, %get3A_588, %get3A_589] : memref<2x8x16x256xf32, #tpu.memory_space<vmem>> -> memref<1x8x16x256xf32, #tpu.memory_space<vmem>>
              %get3A_591 = tpu.memref_squeeze %get3A_590 : memref<1x8x16x256xf32, #tpu.memory_space<vmem>> -> memref<8x16x256xf32, #tpu.memory_space<vmem>>
              %get3A_592 = arith.index_cast %add3A_347 : i32 to index
              %get3A_593 = arith.index_cast %get3A_586 : i32 to index
              %get3A_594 = arith.index_cast %add3A_562 : i32 to index
              %get3A_595 = tpu.vector_load %get3A_591[%get3A_592, %get3A_593, %get3A_594] {strides = array<i32>} : memref<8x16x256xf32, #tpu.memory_space<vmem>>, vector<1x1x16xf32>,
              %get3A_596 = vector.shape_cast %get3A_595 : vector<1x1x16xf32> to vector<16xf32>
              %add3A_597 = arith.addf %add3A_585, %get3A_596 : vector<16xf32>
              %get3A_598 = arith.constant 3 : i32
              %get3A_599 = arith.constant 0 : i32
              %get3A_600 = arith.constant 0 : i32
              %get3A_601 = arith.constant 0 : i32
              %get3A_602 = tpu.memref_slice %run_scoped3A[%rem3A_248, %get3A_599, %get3A_600, %get3A_601] : memref<2x8x16x256xf32, #tpu.memory_space<vmem>> -> memref<1x8x16x256xf32, #tpu.memory_space<vmem>>
              %get3A_603 = tpu.memref_squeeze %get3A_602 : memref<1x8x16x256xf32, #tpu.memory_space<vmem>> -> memref<8x16x256xf32, #tpu.memory_space<vmem>>
              %get3A_604 = arith.index_cast %add3A_347 : i32 to index
              %get3A_605 = arith.index_cast %get3A_598 : i32 to index
              %get3A_606 = arith.index_cast %add3A_562 : i32 to index
              %get3A_607 = tpu.vector_load %get3A_603[%get3A_604, %get3A_605, %get3A_606] {strides = array<i32>} : memref<8x16x256xf32, #tpu.memory_space<vmem>>, vector<1x1x16xf32>,
              %get3A_608 = vector.shape_cast %get3A_607 : vector<1x1x16xf32> to vector<16xf32>
              %add3A_609 = arith.addf %add3A_597, %get3A_608 : vector<16xf32>
              %get3A_610 = arith.constant 4 : i32
              %get3A_611 = arith.constant 0 : i32
              %get3A_612 = arith.constant 0 : i32
              %get3A_613 = arith.constant 0 : i32
              %get3A_614 = tpu.memref_slice %run_scoped3A[%rem3A_248, %get3A_611, %get3A_612, %get3A_613] : memref<2x8x16x256xf32, #tpu.memory_space<vmem>> -> memref<1x8x16x256xf32, #tpu.memory_space<vmem>>
              %get3A_615 = tpu.memref_squeeze %get3A_614 : memref<1x8x16x256xf32, #tpu.memory_space<vmem>> -> memref<8x16x256xf32, #tpu.memory_space<vmem>>
              %get3A_616 = arith.index_cast %add3A_347 : i32 to index
              %get3A_617 = arith.index_cast %get3A_610 : i32 to index
              %get3A_618 = arith.index_cast %add3A_562 : i32 to index
              %get3A_619 = tpu.vector_load %get3A_615[%get3A_616, %get3A_617, %get3A_618] {strides = array<i32>} : memref<8x16x256xf32, #tpu.memory_space<vmem>>, vector<1x1x16xf32>,
              %get3A_620 = vector.shape_cast %get3A_619 : vector<1x1x16xf32> to vector<16xf32>
              %add3A_621 = arith.addf %add3A_609, %get3A_620 : vector<16xf32>
              %get3A_622 = arith.constant 5 : i32
              %get3A_623 = arith.constant 0 : i32
              %get3A_624 = arith.constant 0 : i32
              %get3A_625 = arith.constant 0 : i32
              %get3A_626 = tpu.memref_slice %run_scoped3A[%rem3A_248, %get3A_623, %get3A_624, %get3A_625] : memref<2x8x16x256xf32, #tpu.memory_space<vmem>> -> memref<1x8x16x256xf32, #tpu.memory_space<vmem>>
              %get3A_627 = tpu.memref_squeeze %get3A_626 : memref<1x8x16x256xf32, #tpu.memory_space<vmem>> -> memref<8x16x256xf32, #tpu.memory_space<vmem>>
              %get3A_628 = arith.index_cast %add3A_347 : i32 to index
              %get3A_629 = arith.index_cast %get3A_622 : i32 to index
              %get3A_630 = arith.index_cast %add3A_562 : i32 to index
              %get3A_631 = tpu.vector_load %get3A_627[%get3A_628, %get3A_629, %get3A_630] {strides = array<i32>} : memref<8x16x256xf32, #tpu.memory_space<vmem>>, vector<1x1x16xf32>,
              %get3A_632 = vector.shape_cast %get3A_631 : vector<1x1x16xf32> to vector<16xf32>
              %add3A_633 = arith.addf %add3A_621, %get3A_632 : vector<16xf32>
              %get3A_634 = arith.constant 6 : i32
              %get3A_635 = arith.constant 0 : i32
              %get3A_636 = arith.constant 0 : i32
              %get3A_637 = arith.constant 0 : i32
              %get3A_638 = tpu.memref_slice %run_scoped3A[%rem3A_248, %get3A_635, %get3A_636, %get3A_637] : memref<2x8x16x256xf32, #tpu.memory_space<vmem>> -> memref<1x8x16x256xf32, #tpu.memory_space<vmem>>
              %get3A_639 = tpu.memref_squeeze %get3A_638 : memref<1x8x16x256xf32, #tpu.memory_space<vmem>> -> memref<8x16x256xf32, #tpu.memory_space<vmem>>
              %get3A_640 = arith.index_cast %add3A_347 : i32 to index
              %get3A_641 = arith.index_cast %get3A_634 : i32 to index
              %get3A_642 = arith.index_cast %add3A_562 : i32 to index
              %get3A_643 = tpu.vector_load %get3A_639[%get3A_640, %get3A_641, %get3A_642] {strides = array<i32>} : memref<8x16x256xf32, #tpu.memory_space<vmem>>, vector<1x1x16xf32>,
              %get3A_644 = vector.shape_cast %get3A_643 : vector<1x1x16xf32> to vector<16xf32>
              %add3A_645 = arith.addf %add3A_633, %get3A_644 : vector<16xf32>
              %get3A_646 = arith.constant 7 : i32
              %get3A_647 = arith.constant 0 : i32
              %get3A_648 = arith.constant 0 : i32
              %get3A_649 = arith.constant 0 : i32
              %get3A_650 = tpu.memref_slice %run_scoped3A[%rem3A_248, %get3A_647, %get3A_648, %get3A_649] : memref<2x8x16x256xf32, #tpu.memory_space<vmem>> -> memref<1x8x16x256xf32, #tpu.memory_space<vmem>>
              %get3A_651 = tpu.memref_squeeze %get3A_650 : memref<1x8x16x256xf32, #tpu.memory_space<vmem>> -> memref<8x16x256xf32, #tpu.memory_space<vmem>>
              %get3A_652 = arith.index_cast %add3A_347 : i32 to index
              %get3A_653 = arith.index_cast %get3A_646 : i32 to index
              %get3A_654 = arith.index_cast %add3A_562 : i32 to index
              %get3A_655 = tpu.vector_load %get3A_651[%get3A_652, %get3A_653, %get3A_654] {strides = array<i32>} : memref<8x16x256xf32, #tpu.memory_space<vmem>>, vector<1x1x16xf32>,
              %get3A_656 = vector.shape_cast %get3A_655 : vector<1x1x16xf32> to vector<16xf32>
              %add3A_657 = arith.addf %add3A_645, %get3A_656 : vector<16xf32>
              %get3A_658 = arith.constant 8 : i32
              %get3A_659 = arith.constant 0 : i32
              %get3A_660 = arith.constant 0 : i32
              %get3A_661 = arith.constant 0 : i32
              %get3A_662 = tpu.memref_slice %run_scoped3A[%rem3A_248, %get3A_659, %get3A_660, %get3A_661] : memref<2x8x16x256xf32, #tpu.memory_space<vmem>> -> memref<1x8x16x256xf32, #tpu.memory_space<vmem>>
              %get3A_663 = tpu.memref_squeeze %get3A_662 : memref<1x8x16x256xf32, #tpu.memory_space<vmem>> -> memref<8x16x256xf32, #tpu.memory_space<vmem>>
              %get3A_664 = arith.index_cast %add3A_347 : i32 to index
              %get3A_665 = arith.index_cast %get3A_658 : i32 to index
              %get3A_666 = arith.index_cast %add3A_562 : i32 to index
              %get3A_667 = tpu.vector_load %get3A_663[%get3A_664, %get3A_665, %get3A_666] {strides = array<i32>} : memref<8x16x256xf32, #tpu.memory_space<vmem>>, vector<1x1x16xf32>,
              %get3A_668 = vector.shape_cast %get3A_667 : vector<1x1x16xf32> to vector<16xf32>
              %add3A_669 = arith.addf %add3A_657, %get3A_668 : vector<16xf32>
              %get3A_670 = arith.constant 9 : i32
              %get3A_671 = arith.constant 0 : i32
              %get3A_672 = arith.constant 0 : i32
              %get3A_673 = arith.constant 0 : i32
              %get3A_674 = tpu.memref_slice %run_scoped3A[%rem3A_248, %get3A_671, %get3A_672, %get3A_673] : memref<2x8x16x256xf32, #tpu.memory_space<vmem>> -> memref<1x8x16x256xf32, #tpu.memory_space<vmem>>
              %get3A_675 = tpu.memref_squeeze %get3A_674 : memref<1x8x16x256xf32, #tpu.memory_space<vmem>> -> memref<8x16x256xf32, #tpu.memory_space<vmem>>
              %get3A_676 = arith.index_cast %add3A_347 : i32 to index
              %get3A_677 = arith.index_cast %get3A_670 : i32 to index
              %get3A_678 = arith.index_cast %add3A_562 : i32 to index
              %get3A_679 = tpu.vector_load %get3A_675[%get3A_676, %get3A_677, %get3A_678] {strides = array<i32>} : memref<8x16x256xf32, #tpu.memory_space<vmem>>, vector<1x1x16xf32>,
              %get3A_680 = vector.shape_cast %get3A_679 : vector<1x1x16xf32> to vector<16xf32>
              %add3A_681 = arith.addf %add3A_669, %get3A_680 : vector<16xf32>
              %get3A_682 = arith.constant 10 : i32
              %get3A_683 = arith.constant 0 : i32
              %get3A_684 = arith.constant 0 : i32
              %get3A_685 = arith.constant 0 : i32
              %get3A_686 = tpu.memref_slice %run_scoped3A[%rem3A_248, %get3A_683, %get3A_684, %get3A_685] : memref<2x8x16x256xf32, #tpu.memory_space<vmem>> -> memref<1x8x16x256xf32, #tpu.memory_space<vmem>>
              %get3A_687 = tpu.memref_squeeze %get3A_686 : memref<1x8x16x256xf32, #tpu.memory_space<vmem>> -> memref<8x16x256xf32, #tpu.memory_space<vmem>>
              %get3A_688 = arith.index_cast %add3A_347 : i32 to index
              %get3A_689 = arith.index_cast %get3A_682 : i32 to index
              %get3A_690 = arith.index_cast %add3A_562 : i32 to index
              %get3A_691 = tpu.vector_load %get3A_687[%get3A_688, %get3A_689, %get3A_690] {strides = array<i32>} : memref<8x16x256xf32, #tpu.memory_space<vmem>>, vector<1x1x16xf32>,
              %get3A_692 = vector.shape_cast %get3A_691 : vector<1x1x16xf32> to vector<16xf32>
              %add3A_693 = arith.addf %add3A_681, %get3A_692 : vector<16xf32>
              %get3A_694 = arith.constant 11 : i32
              %get3A_695 = arith.constant 0 : i32
              %get3A_696 = arith.constant 0 : i32
              %get3A_697 = arith.constant 0 : i32
              %get3A_698 = tpu.memref_slice %run_scoped3A[%rem3A_248, %get3A_695, %get3A_696, %get3A_697] : memref<2x8x16x256xf32, #tpu.memory_space<vmem>> -> memref<1x8x16x256xf32, #tpu.memory_space<vmem>>
              %get3A_699 = tpu.memref_squeeze %get3A_698 : memref<1x8x16x256xf32, #tpu.memory_space<vmem>> -> memref<8x16x256xf32, #tpu.memory_space<vmem>>
              %get3A_700 = arith.index_cast %add3A_347 : i32 to index
              %get3A_701 = arith.index_cast %get3A_694 : i32 to index
              %get3A_702 = arith.index_cast %add3A_562 : i32 to index
              %get3A_703 = tpu.vector_load %get3A_699[%get3A_700, %get3A_701, %get3A_702] {strides = array<i32>} : memref<8x16x256xf32, #tpu.memory_space<vmem>>, vector<1x1x16xf32>,
              %get3A_704 = vector.shape_cast %get3A_703 : vector<1x1x16xf32> to vector<16xf32>
              %add3A_705 = arith.addf %add3A_693, %get3A_704 : vector<16xf32>
              %get3A_706 = arith.constant 12 : i32
              %get3A_707 = arith.constant 0 : i32
              %get3A_708 = arith.constant 0 : i32
              %get3A_709 = arith.constant 0 : i32
              %get3A_710 = tpu.memref_slice %run_scoped3A[%rem3A_248, %get3A_707, %get3A_708, %get3A_709] : memref<2x8x16x256xf32, #tpu.memory_space<vmem>> -> memref<1x8x16x256xf32, #tpu.memory_space<vmem>>
              %get3A_711 = tpu.memref_squeeze %get3A_710 : memref<1x8x16x256xf32, #tpu.memory_space<vmem>> -> memref<8x16x256xf32, #tpu.memory_space<vmem>>
              %get3A_712 = arith.index_cast %add3A_347 : i32 to index
              %get3A_713 = arith.index_cast %get3A_706 : i32 to index
              %get3A_714 = arith.index_cast %add3A_562 : i32 to index
              %get3A_715 = tpu.vector_load %get3A_711[%get3A_712, %get3A_713, %get3A_714] {strides = array<i32>} : memref<8x16x256xf32, #tpu.memory_space<vmem>>, vector<1x1x16xf32>,
              %get3A_716 = vector.shape_cast %get3A_715 : vector<1x1x16xf32> to vector<16xf32>
              %add3A_717 = arith.addf %add3A_705, %get3A_716 : vector<16xf32>
              %get3A_718 = arith.constant 13 : i32
              %get3A_719 = arith.constant 0 : i32
              %get3A_720 = arith.constant 0 : i32
              %get3A_721 = arith.constant 0 : i32
              %get3A_722 = tpu.memref_slice %run_scoped3A[%rem3A_248, %get3A_719, %get3A_720, %get3A_721] : memref<2x8x16x256xf32, #tpu.memory_space<vmem>> -> memref<1x8x16x256xf32, #tpu.memory_space<vmem>>
              %get3A_723 = tpu.memref_squeeze %get3A_722 : memref<1x8x16x256xf32, #tpu.memory_space<vmem>> -> memref<8x16x256xf32, #tpu.memory_space<vmem>>
              %get3A_724 = arith.index_cast %add3A_347 : i32 to index
              %get3A_725 = arith.index_cast %get3A_718 : i32 to index
              %get3A_726 = arith.index_cast %add3A_562 : i32 to index
              %get3A_727 = tpu.vector_load %get3A_723[%get3A_724, %get3A_725, %get3A_726] {strides = array<i32>} : memref<8x16x256xf32, #tpu.memory_space<vmem>>, vector<1x1x16xf32>,
              %get3A_728 = vector.shape_cast %get3A_727 : vector<1x1x16xf32> to vector<16xf32>
              %add3A_729 = arith.addf %add3A_717, %get3A_728 : vector<16xf32>
              %get3A_730 = arith.constant 14 : i32
              %get3A_731 = arith.constant 0 : i32
              %get3A_732 = arith.constant 0 : i32
              %get3A_733 = arith.constant 0 : i32
              %get3A_734 = tpu.memref_slice %run_scoped3A[%rem3A_248, %get3A_731, %get3A_732, %get3A_733] : memref<2x8x16x256xf32, #tpu.memory_space<vmem>> -> memref<1x8x16x256xf32, #tpu.memory_space<vmem>>
              %get3A_735 = tpu.memref_squeeze %get3A_734 : memref<1x8x16x256xf32, #tpu.memory_space<vmem>> -> memref<8x16x256xf32, #tpu.memory_space<vmem>>
              %get3A_736 = arith.index_cast %add3A_347 : i32 to index
              %get3A_737 = arith.index_cast %get3A_730 : i32 to index
              %get3A_738 = arith.index_cast %add3A_562 : i32 to index
              %get3A_739 = tpu.vector_load %get3A_735[%get3A_736, %get3A_737, %get3A_738] {strides = array<i32>} : memref<8x16x256xf32, #tpu.memory_space<vmem>>, vector<1x1x16xf32>,
              %get3A_740 = vector.shape_cast %get3A_739 : vector<1x1x16xf32> to vector<16xf32>
              %add3A_741 = arith.addf %add3A_729, %get3A_740 : vector<16xf32>
              %get3A_742 = arith.constant 15 : i32
              %get3A_743 = arith.constant 0 : i32
              %get3A_744 = arith.constant 0 : i32
              %get3A_745 = arith.constant 0 : i32
              %get3A_746 = tpu.memref_slice %run_scoped3A[%rem3A_248, %get3A_743, %get3A_744, %get3A_745] : memref<2x8x16x256xf32, #tpu.memory_space<vmem>> -> memref<1x8x16x256xf32, #tpu.memory_space<vmem>>
              %get3A_747 = tpu.memref_squeeze %get3A_746 : memref<1x8x16x256xf32, #tpu.memory_space<vmem>> -> memref<8x16x256xf32, #tpu.memory_space<vmem>>
              %get3A_748 = arith.index_cast %add3A_347 : i32 to index
              %get3A_749 = arith.index_cast %get3A_742 : i32 to index
              %get3A_750 = arith.index_cast %add3A_562 : i32 to index
              %get3A_751 = tpu.vector_load %get3A_747[%get3A_748, %get3A_749, %get3A_750] {strides = array<i32>} : memref<8x16x256xf32, #tpu.memory_space<vmem>>, vector<1x1x16xf32>,
              %get3A_752 = vector.shape_cast %get3A_751 : vector<1x1x16xf32> to vector<16xf32>
              %add3A_753 = arith.addf %add3A_741, %get3A_752 : vector<16xf32>
              %mul3A_754 = arith.constant 6.250000e-02 : f32
              %mul3A_755 = vector.broadcast %mul3A_754 : f32 to vector<16xf32>
              %mul3A_756 = arith.mulf %add3A_753, %mul3A_755 : vector<16xf32>
              %swap3A_757 = arith.constant 0 : i32
              %swap3A_758 = arith.constant 0 : i32
              %swap3A_759 = tpu.memref_slice %run_scoped3A_18[%rem3A_250, %swap3A_757, %swap3A_758] : memref<2x8x256xf32, #tpu.memory_space<vmem>> -> memref<1x8x256xf32, #tpu.memory_space<vmem>>
              %swap3A_760 = tpu.memref_squeeze %swap3A_759 : memref<1x8x256xf32, #tpu.memory_space<vmem>> -> memref<8x256xf32, #tpu.memory_space<vmem>>
              %swap3A_761 = arith.index_cast %add3A_347 : i32 to index
              %swap3A_762 = arith.index_cast %add3A_562 : i32 to index
              %swap3A_763 = tpu.vector_load %swap3A_760[%swap3A_761, %swap3A_762] {strides = array<i32>} : memref<8x256xf32, #tpu.memory_space<vmem>>, vector<1x16xf32>,
              %swap3A_764 = vector.shape_cast %swap3A_763 : vector<1x16xf32> to vector<16xf32>
              %swap3A_765 = vector.shape_cast %mul3A_756 : vector<16xf32> to vector<1x16xf32>
              tpu.vector_store %swap3A_760[%swap3A_761, %swap3A_762], %swap3A_765 {strides = array<i32>} : memref<8x256xf32, #tpu.memory_space<vmem>>, vector<1x16xf32>,
            }
            %scan3A_352 = arith.constant 8 : i32
          }
          %scan3A_254 = arith.constant 8 : i32
          "tpu.trace_stop"() : () -> ()
          %add3A_255 = arith.constant 1050 : i32
          %add3A_256 = arith.addi %add3A_161, %add3A_255 : i32
          %add3A_257 = arith.constant 1050 : i32
          %add3A_258 = arith.addi %add3A_179, %add3A_257 : i32
          %ne3A_259 = arith.cmpi ne, %add3A_256, %add3A_258 : i32
          %or3A_260 = arith.constant false
          %or3A_261 = arith.ori %or3A_260, %ne3A_259 : i1
          %or3A_262 = arith.constant false
          %or3A_263 = arith.ori %or3A_261, %or3A_262 : i1
          %or3A_264 = arith.constant false
          %or3A_265 = arith.ori %or3A_263, %or3A_264 : i1
          %or3A_266 = arith.ori %or3A_265, %eq3A_160 : i1
          %convert_element_type3A_267 = arith.extui %or3A_266 : i1 to i32
          %cond3A_268 = arith.constant 0 : i32
          %cond3A_269 = arith.cmpi ne, %convert_element_type3A_267, %cond3A_268 : i32
          scf.if %cond3A_269 {
          } else {
          }
          %and3A_270 = arith.constant false
          %and3A_271 = arith.andi %or3A_266, %and3A_270 : i1
          %ne3A_272 = arith.cmpi ne, %add3A_161, %add3A_179 : i32
          %or3A_273 = arith.constant false
          %or3A_274 = arith.ori %or3A_273, %ne3A_272 : i1
          %or3A_275 = arith.constant false
          %or3A_276 = arith.ori %or3A_274, %or3A_275 : i1
          %or3A_277 = arith.ori %or3A_276, %eq3A_160 : i1
          %convert_element_type3A_278 = arith.extui %or3A_277 : i1 to i32
          %cond3A_279 = arith.constant 0 : i32
          %cond3A_280 = arith.cmpi ne, %convert_element_type3A_278, %cond3A_279 : i32
          scf.if %cond3A_280 {
            "tpu.trace_start"() <{level = 10 : i32, message = "ep_copy_out"}> : () -> ()
            %rem3A_343 = arith.constant 2 : i32
            %rem3A_344 = arith.remui %while3A_151, %rem3A_343 : i32
            %mul3A_345 = arith.constant 8 : i32
            %mul3A_346 = arith.muli %mul3A_345, %add3A_161 : i32
            %dma_start3A_347 = arith.constant 0 : i32
            %dma_start3A_348 = arith.constant 0 : i32
            %dma_start3A_349 = tpu.memref_slice %run_scoped3A_18[%rem3A_344, %dma_start3A_347, %dma_start3A_348] : memref<2x8x256xf32, #tpu.memory_space<vmem>> -> memref<1x8x256xf32, #tpu.memory_space<vmem>>
            %dma_start3A_350 = tpu.memref_squeeze %dma_start3A_349 : memref<1x8x256xf32, #tpu.memory_space<vmem>> -> memref<8x256xf32, #tpu.memory_space<vmem>>
            %dma_start3A_351 = arith.constant 0 : i32
            %dma_start3A_352 = tpu.memref_slice %arg3[%mul3A_346, %dma_start3A_351] : memref<1600x256xf32, #tpu.memory_space<hbm>> -> memref<8x256xf32, #tpu.memory_space<hbm>>
            %dma_start3A_353 = tpu.memref_slice %run_scoped3A_19[%rem3A_344] : memref<2x!tpu.dma_semaphore, #tpu.memory_space<semaphore_mem>> -> memref<1x!tpu.dma_semaphore, #tpu.memory_space<semaphore_mem>>
            %dma_start3A_354 = tpu.memref_squeeze %dma_start3A_353 : memref<1x!tpu.dma_semaphore, #tpu.memory_space<semaphore_mem>> -> memref<!tpu.dma_semaphore, #tpu.memory_space<semaphore_mem>>
            %dma_start3A_355 = arith.constant 0 : i32
            %dma_start3A_356 = tpu.memref_slice %arg3[%mul3A_346, %dma_start3A_355] : memref<1600x256xf32, #tpu.memory_space<hbm>> -> memref<8x256xf32, #tpu.memory_space<hbm>>
            %dma_start3A_357 = arith.constant 0 : i32
            %dma_start3A_358 = arith.constant 0 : i32
            %dma_start3A_359 = tpu.memref_slice %run_scoped3A_18[%rem3A_344, %dma_start3A_357, %dma_start3A_358] : memref<2x8x256xf32, #tpu.memory_space<vmem>> -> memref<1x8x256xf32, #tpu.memory_space<vmem>>
            %dma_start3A_360 = tpu.memref_squeeze %dma_start3A_359 : memref<1x8x256xf32, #tpu.memory_space<vmem>> -> memref<8x256xf32, #tpu.memory_space<vmem>>
            tpu.enqueue_dma source(%dma_start3A_360 : memref<8x256xf32, #tpu.memory_space<vmem>>) target(%dma_start3A_356 : memref<8x256xf32, #tpu.memory_space<hbm>>) target_semaphore(%dma_start3A_354 : memref<!tpu.dma_semaphore, #tpu.memory_space<semaphore_mem>>)
            "tpu.trace_stop"() : () -> ()
          } else {
          }
          %and3A_281 = arith.constant true
          %and3A_282 = arith.andi %or3A_277, %and3A_281 : i1
          %add3A_283 = arith.constant 1 : i32
          %add3A_284 = arith.addi %while3A_151, %add3A_283 : i32
          %select_n3A_285 = arith.select %and3A_282, %add3A_284, %while3A_151 : i32
          %add3A_286 = arith.constant 1050 : i32
          %add3A_287 = arith.addi %add3A_161, %add3A_286 : i32
          %add3A_288 = arith.constant 1050 : i32
          %add3A_289 = arith.addi %add3A_171, %add3A_288 : i32
          %ne3A_290 = arith.cmpi ne, %add3A_287, %add3A_289 : i32
          %or3A_291 = arith.constant false
          %or3A_292 = arith.ori %or3A_291, %ne3A_290 : i1
          %or3A_293 = arith.constant false
          %or3A_294 = arith.ori %or3A_292, %or3A_293 : i1
          %or3A_295 = arith.constant false
          %or3A_296 = arith.ori %or3A_294, %or3A_295 : i1
          %not3A_297 = arith.constant true
          %not3A_298 = arith.xori %eq3A_157, %not3A_297 : i1
          %and3A_299 = arith.andi %or3A_296, %not3A_298 : i1
          %convert_element_type3A_300 = arith.extui %and3A_299 : i1 to i32
          %cond3A_301 = arith.constant 0 : i32
          %cond3A_302 = arith.cmpi ne, %convert_element_type3A_300, %cond3A_301 : i32
          scf.if %cond3A_302 {
          } else {
          }
          %and3A_303 = arith.constant false
          %and3A_304 = arith.andi %and3A_299, %and3A_303 : i1
          %ne3A_305 = arith.cmpi ne, %add3A_161, %add3A_171 : i32
          %or3A_306 = arith.constant false
          %or3A_307 = arith.ori %or3A_306, %ne3A_305 : i1
          %or3A_308 = arith.constant false
          %or3A_309 = arith.ori %or3A_307, %or3A_308 : i1
          %not3A_310 = arith.constant true
          %not3A_311 = arith.xori %eq3A_157, %not3A_310 : i1
          %and3A_312 = arith.andi %or3A_309, %not3A_311 : i1
          %convert_element_type3A_313 = arith.extui %and3A_312 : i1 to i32
          %cond3A_314 = arith.constant 0 : i32
          %cond3A_315 = arith.cmpi ne, %convert_element_type3A_313, %cond3A_314 : i32
          scf.if %cond3A_315 {
            "tpu.trace_start"() <{level = 10 : i32, message = "ep_wait_out"}> : () -> ()
            %rem3A_343 = arith.constant 2 : i32
            %rem3A_344 = arith.remui %while3A_152, %rem3A_343 : i32
            %mul3A_345 = arith.constant 8 : i32
            %mul3A_346 = arith.muli %mul3A_345, %add3A_171 : i32
            %dma_wait3A = arith.constant 0 : i32
            %dma_wait3A_347 = arith.constant 0 : i32
            %dma_wait3A_348 = tpu.memref_slice %run_scoped3A_18[%rem3A_344, %dma_wait3A, %dma_wait3A_347] : memref<2x8x256xf32, #tpu.memory_space<vmem>> -> memref<1x8x256xf32, #tpu.memory_space<vmem>>
            %dma_wait3A_349 = tpu.memref_squeeze %dma_wait3A_348 : memref<1x8x256xf32, #tpu.memory_space<vmem>> -> memref<8x256xf32, #tpu.memory_space<vmem>>
            %dma_wait3A_350 = arith.constant 0 : i32
            %dma_wait3A_351 = tpu.memref_slice %arg3[%mul3A_346, %dma_wait3A_350] : memref<1600x256xf32, #tpu.memory_space<hbm>> -> memref<8x256xf32, #tpu.memory_space<hbm>>
            %dma_wait3A_352 = tpu.memref_slice %run_scoped3A_19[%rem3A_344] : memref<2x!tpu.dma_semaphore, #tpu.memory_space<semaphore_mem>> -> memref<1x!tpu.dma_semaphore, #tpu.memory_space<semaphore_mem>>
            %dma_wait3A_353 = tpu.memref_squeeze %dma_wait3A_352 : memref<1x!tpu.dma_semaphore, #tpu.memory_space<semaphore_mem>> -> memref<!tpu.dma_semaphore, #tpu.memory_space<semaphore_mem>>
            %dma_wait3A_354 = arith.constant 0 : i32
            %dma_wait3A_355 = tpu.memref_slice %arg3[%mul3A_346, %dma_wait3A_354] : memref<1600x256xf32, #tpu.memory_space<hbm>> -> memref<8x256xf32, #tpu.memory_space<hbm>>
            %dma_wait3A_356 = arith.constant 0 : i32
            %dma_wait3A_357 = arith.constant 0 : i32
            %dma_wait3A_358 = tpu.memref_slice %run_scoped3A_18[%rem3A_344, %dma_wait3A_356, %dma_wait3A_357] : memref<2x8x256xf32, #tpu.memory_space<vmem>> -> memref<1x8x256xf32, #tpu.memory_space<vmem>>
            %dma_wait3A_359 = tpu.memref_squeeze %dma_wait3A_358 : memref<1x8x256xf32, #tpu.memory_space<vmem>> -> memref<8x256xf32, #tpu.memory_space<vmem>>
            tpu.wait_dma2 semaphore(%dma_wait3A_353 : memref<!tpu.dma_semaphore, #tpu.memory_space<semaphore_mem>>) src(%dma_wait3A_359 : memref<8x256xf32, #tpu.memory_space<vmem>>) dst(%dma_wait3A_355 : memref<8x256xf32, #tpu.memory_space<hbm>>)
            "tpu.trace_stop"() : () -> ()
          } else {
          }
          %and3A_316 = arith.constant true
          %and3A_317 = arith.andi %and3A_312, %and3A_316 : i1
          %add3A_318 = arith.constant 1 : i32
          %add3A_319 = arith.addi %while3A_152, %add3A_318 : i32
          %select_n3A_320 = arith.select %and3A_317, %add3A_319, %while3A_152 : i32
          %add3A_321 = arith.constant 1050 : i32
          %add3A_322 = arith.addi %add3A_161, %add3A_321 : i32
          %add3A_323 = arith.constant 1050 : i32
          %add3A_324 = arith.addi %add3A_179, %add3A_323 : i32
          %ne3A_325 = arith.cmpi ne, %add3A_322, %add3A_324 : i32
          %or3A_326 = arith.constant false
          %or3A_327 = arith.ori %or3A_326, %ne3A_325 : i1
          %or3A_328 = arith.constant false
          %or3A_329 = arith.ori %or3A_327, %or3A_328 : i1
          %or3A_330 = arith.constant false
          %or3A_331 = arith.ori %or3A_329, %or3A_330 : i1
          %or3A_332 = arith.ori %or3A_331, %eq3A_160 : i1
          %add3A_333 = arith.constant 1 : i32
          %add3A_334 = arith.addi %while3A_150, %add3A_333 : i32
          %select_n3A_335 = arith.select %or3A_332, %add3A_334, %while3A_150 : i32
          %add3A_336 = arith.constant 1 : i32
          %add3A_337 = arith.addi %while3A_153, %add3A_336 : i32
          %select_n3A_338 = arith.constant true
          %select_n3A_339 = arith.select %select_n3A_338, %add3A_337, %while3A_153 : i32
          %eq3A_340 = arith.cmpi eq, %select_n3A_339, %select_n3A : i32
          %select_n3A_341 = arith.constant 0 : i32
          %select_n3A_342 = arith.select %eq3A_340, %select_n3A_341, %select_n3A_339 : i32
          scf.yield %select_n3A_209, %select_n3A_335, %select_n3A_285, %select_n3A_320, %select_n3A_342 : i32, i32, i32, i32, i32
        }
        %sub3A_97 = arith.constant 1 : i32
        %sub3A_98 = arith.subi %while3A_96#4, %sub3A_97 : i32
        %select_n3A_99 = arith.constant true
        %select_n3A_100 = arith.select %select_n3A_99, %sub3A_98, %while3A_96#4 : i32
        %eq3A_101 = arith.constant -1 : i32
        %eq3A_102 = arith.cmpi eq, %select_n3A_100, %eq3A_101 : i32
        %sub3A_103 = arith.constant 1 : i32
        %sub3A_104 = arith.subi %select_n3A, %sub3A_103 : i32
        %select_n3A_105 = arith.select %eq3A_102, %sub3A_104, %select_n3A_100 : i32
        %sub3A_106 = arith.constant 1 : i32
        %sub3A_107 = arith.subi %mul3A_16, %sub3A_106 : i32
        %mul3A_108 = arith.constant 1 : i32
        %mul3A_109 = arith.muli %mul3A_108, %select_n3A : i32
        %eq3A_110 = arith.constant 0 : i32
        %eq3A_111 = arith.cmpi eq, %sub3A_107, %eq3A_110 : i32
        %sub3A_112 = arith.constant 1 : i32
        %sub3A_113 = arith.subi %mul3A_109, %sub3A_112 : i32
        %eq3A_114 = arith.cmpi eq, %sub3A_107, %sub3A_113 : i32
        %add3A_115 = arith.addi %select_n3A_105, %select_n3A_14 : i32
        %sub3A_116 = arith.constant 1 : i32
        %sub3A_117 = arith.subi %select_n3A_105, %sub3A_116 : i32
        %select_n3A_118 = arith.constant true
        %select_n3A_119 = arith.select %select_n3A_118, %sub3A_117, %select_n3A_105 : i32
        %eq3A_120 = arith.constant -1 : i32
        %eq3A_121 = arith.cmpi eq, %select_n3A_119, %eq3A_120 : i32
        %sub3A_122 = arith.constant 1 : i32
        %sub3A_123 = arith.subi %select_n3A, %sub3A_122 : i32
        %select_n3A_124 = arith.select %eq3A_121, %sub3A_123, %select_n3A_119 : i32
        %add3A_125 = arith.addi %select_n3A_124, %select_n3A_14 : i32
        %add3A_126 = arith.constant 1 : i32
        %add3A_127 = arith.addi %select_n3A_105, %add3A_126 : i32
        %select_n3A_128 = arith.constant true
        %select_n3A_129 = arith.select %select_n3A_128, %add3A_127, %select_n3A_105 : i32
        %eq3A_130 = arith.cmpi eq, %select_n3A_129, %select_n3A : i32
        %select_n3A_131 = arith.constant 0 : i32
        %select_n3A_132 = arith.select %eq3A_130, %select_n3A_131, %select_n3A_129 : i32
        %add3A_133 = arith.addi %select_n3A_132, %select_n3A_14 : i32
        %add3A_134 = arith.constant 1 : i32
        %add3A_135 = arith.addi %select_n3A_132, %add3A_134 : i32
        %select_n3A_136 = arith.constant true
        %select_n3A_137 = arith.select %select_n3A_136, %add3A_135, %select_n3A_132 : i32
        %eq3A_138 = arith.cmpi eq, %select_n3A_137, %select_n3A : i32
        %select_n3A_139 = arith.constant 0 : i32
        %select_n3A_140 = arith.select %eq3A_138, %select_n3A_139, %select_n3A_137 : i32
        %add3A_141 = arith.addi %select_n3A_140, %select_n3A_14 : i32
        %convert_element_type3A_142 = arith.extui %eq3A_114 : i1 to i32
        %cond3A_143 = arith.constant 0 : i32
        %cond3A_144 = arith.cmpi ne, %convert_element_type3A_142, %cond3A_143 : i32
        scf.if %cond3A_144 {
        } else {
        }
        %convert_element_type3A_145 = arith.extui %eq3A_114 : i1 to i32
        %cond3A_146 = arith.constant 0 : i32
        %cond3A_147 = arith.cmpi ne, %convert_element_type3A_145, %cond3A_146 : i32
        scf.if %cond3A_147 {
          "tpu.trace_start"() <{level = 10 : i32, message = "ep_finalize"}> : () -> ()
          %rem3A_148 = arith.constant 2 : i32
          %rem3A_149 = arith.remui %while3A_96#3, %rem3A_148 : i32
          %mul3A_150 = arith.constant 8 : i32
          %mul3A_151 = arith.muli %mul3A_150, %add3A_115 : i32
          %dma_wait3A = arith.constant 0 : i32
          %dma_wait3A_152 = arith.constant 0 : i32
          %dma_wait3A_153 = tpu.memref_slice %run_scoped3A_18[%rem3A_149, %dma_wait3A, %dma_wait3A_152] : memref<2x8x256xf32, #tpu.memory_space<vmem>> -> memref<1x8x256xf32, #tpu.memory_space<vmem>>
          %dma_wait3A_154 = tpu.memref_squeeze %dma_wait3A_153 : memref<1x8x256xf32, #tpu.memory_space<vmem>> -> memref<8x256xf32, #tpu.memory_space<vmem>>
          %dma_wait3A_155 = arith.constant 0 : i32
          %dma_wait3A_156 = tpu.memref_slice %arg3[%mul3A_151, %dma_wait3A_155] : memref<1600x256xf32, #tpu.memory_space<hbm>> -> memref<8x256xf32, #tpu.memory_space<hbm>>
          %dma_wait3A_157 = tpu.memref_slice %run_scoped3A_19[%rem3A_149] : memref<2x!tpu.dma_semaphore, #tpu.memory_space<semaphore_mem>> -> memref<1x!tpu.dma_semaphore, #tpu.memory_space<semaphore_mem>>
          %dma_wait3A_158 = tpu.memref_squeeze %dma_wait3A_157 : memref<1x!tpu.dma_semaphore, #tpu.memory_space<semaphore_mem>> -> memref<!tpu.dma_semaphore, #tpu.memory_space<semaphore_mem>>
          %dma_wait3A_159 = arith.constant 0 : i32
          %dma_wait3A_160 = tpu.memref_slice %arg3[%mul3A_151, %dma_wait3A_159] : memref<1600x256xf32, #tpu.memory_space<hbm>> -> memref<8x256xf32, #tpu.memory_space<hbm>>
          %dma_wait3A_161 = arith.constant 0 : i32
          %dma_wait3A_162 = arith.constant 0 : i32
          %dma_wait3A_163 = tpu.memref_slice %run_scoped3A_18[%rem3A_149, %dma_wait3A_161, %dma_wait3A_162] : memref<2x8x256xf32, #tpu.memory_space<vmem>> -> memref<1x8x256xf32, #tpu.memory_space<vmem>>
          %dma_wait3A_164 = tpu.memref_squeeze %dma_wait3A_163 : memref<1x8x256xf32, #tpu.memory_space<vmem>> -> memref<8x256xf32, #tpu.memory_space<vmem>>
          tpu.wait_dma2 semaphore(%dma_wait3A_158 : memref<!tpu.dma_semaphore, #tpu.memory_space<semaphore_mem>>) src(%dma_wait3A_164 : memref<8x256xf32, #tpu.memory_space<vmem>>) dst(%dma_wait3A_160 : memref<8x256xf32, #tpu.memory_space<hbm>>)
          "tpu.trace_stop"() : () -> ()
        } else {
        }
      } else {
      }
      tpu.yield
    }) : () -> ()
    return
  }
}

module attributes {stable_mosaic.version = 14 : i64} {
  func.func @_tc_main_body(%arg0: i32, %arg1: memref<840x256xf32, #tpu.memory_space<vmem>>, %arg2: memref<840x16x256xf32, #tpu.memory_space<vmem>>, %arg3: memref<256x256xf32, #tpu.memory_space<vmem>>, %arg4: memref<256x256xf32, #tpu.memory_space<vmem>>, %arg5: memref<840x256xf32, #tpu.memory_space<vmem>>) attributes {dimension_semantics = [#tpu.dimension_semantics<arbitrary>], iteration_bounds = array<i64: 10>, scalar_prefetch = 0 : i64, scratch_operands = 0 : i64, tpu.core_type = #tpu.core_type<tc>, window_params = [{transform_indices = @transform_0, window_bounds = array<i64: 840, 256>}, {transform_indices = @transform_1, window_bounds = array<i64: 840, 16, 256>}, {pipeline_mode = #tpu.pipeline_mode<synchronous>, transform_indices = @transform_2, window_bounds = array<i64: 256, 256>}, {pipeline_mode = #tpu.pipeline_mode<synchronous>, transform_indices = @transform_3, window_bounds = array<i64: 256, 256>}, {transform_indices = @transform_4, window_bounds = array<i64: 840, 256>}]} {
    %get3A = arith.constant 0 : index
    %get3A_0 = arith.constant 0 : index
    %get3A_1 = arith.constant 0 : index
    %get3A_2 = vector.load %arg2[%get3A, %get3A_0, %get3A_1] : memref<840x16x256xf32, #tpu.memory_space<vmem>>, vector<840x16x256xf32>
    %reduce_sum3A = arith.constant dense<0.000000e+00> : vector<840x256xf32>
    %reduce_sum3A_3 = vector.multi_reduction <add>, %get3A_2, %reduce_sum3A [1] : vector<840x16x256xf32> to vector<840x256xf32>
    %mul3A = arith.constant 6.250000e-02 : f32
    %mul3A_4 = vector.broadcast %mul3A : f32 to vector<840x256xf32>
    %mul3A_5 = arith.mulf %reduce_sum3A_3, %mul3A_4 : vector<840x256xf32>
    %get3A_6 = arith.constant 0 : index
    %get3A_7 = arith.constant 0 : index
    %get3A_8 = vector.load %arg1[%get3A_6, %get3A_7] : memref<840x256xf32, #tpu.memory_space<vmem>>, vector<840x256xf32>
    %get3A_9 = arith.constant 0 : index
    %get3A_10 = arith.constant 0 : index
    %get3A_11 = vector.load %arg4[%get3A_9, %get3A_10] : memref<256x256xf32, #tpu.memory_space<vmem>>, vector<256x256xf32>
    %dot_general3A = arith.constant dense<0.000000e+00> : vector<840x256xf32>
    %dot_general3A_12 = tpu.matmul %get3A_8, %get3A_11, %dot_general3A {dimension_numbers = #tpu.dot_dimension_numbers<[1], [0], [0], [1], [0, 0, 1, 1], [], []>, transpose_lhs_hint = false} : vector<840x256xf32>, vector<256x256xf32>, vector<840x256xf32> -> vector<840x256xf32>
    %get3A_13 = arith.constant 0 : index
    %get3A_14 = arith.constant 0 : index
    %get3A_15 = vector.load %arg3[%get3A_13, %get3A_14] : memref<256x256xf32, #tpu.memory_space<vmem>>, vector<256x256xf32>
    %dot_general3A_16 = arith.constant dense<0.000000e+00> : vector<840x256xf32>
    %dot_general3A_17 = tpu.matmul %mul3A_5, %get3A_15, %dot_general3A_16 {dimension_numbers = #tpu.dot_dimension_numbers<[1], [0], [0], [1], [0, 0, 1, 1], [], []>, transpose_lhs_hint = false} : vector<840x256xf32>, vector<256x256xf32>, vector<840x256xf32> -> vector<840x256xf32>
    %add3A = arith.addf %dot_general3A_12, %dot_general3A_17 : vector<840x256xf32>
    %max3A = arith.constant 0.000000e+00 : f32
    %max3A_18 = vector.broadcast %max3A : f32 to vector<840x256xf32>
    %max3A_19 = arith.maximumf %add3A, %max3A_18 : vector<840x256xf32>
    %swap3A = arith.constant 0 : index
    %swap3A_20 = arith.constant 0 : index
    %swap3A_21 = vector.load %arg5[%swap3A, %swap3A_20] : memref<840x256xf32, #tpu.memory_space<vmem>>, vector<840x256xf32>
    tpu.vector_store %arg5[%swap3A, %swap3A_20], %max3A_19 {strides = array<i32>} : memref<840x256xf32, #tpu.memory_space<vmem>>, vector<840x256xf32>,
    return
  }
  func.func @transform_0(%arg0: i32) -> (i32, i32) {
    %c0_i32 = arith.constant 0 : i32
    %c0_i32_0 = arith.constant 0 : i32
    return %arg0, %c0_i32 : i32, i32
  }
  func.func @transform_1(%arg0: i32) -> (i32, i32, i32) {
    %c0_i32 = arith.constant 0 : i32
    %c0_i32_0 = arith.constant 0 : i32
    %c0_i32_1 = arith.constant 0 : i32
    return %arg0, %c0_i32, %c0_i32_0 : i32, i32, i32
  }
  func.func @transform_2(%arg0: i32) -> (i32, i32) {
    %c0_i32 = arith.constant 0 : i32
    %c0_i32_0 = arith.constant 0 : i32
    %c0_i32_1 = arith.constant 0 : i32
    return %c0_i32, %c0_i32_0 : i32, i32
  }
  func.func @transform_3(%arg0: i32) -> (i32, i32) {
    %c0_i32 = arith.constant 0 : i32
    %c0_i32_0 = arith.constant 0 : i32
    %c0_i32_1 = arith.constant 0 : i32
    return %c0_i32, %c0_i32_0 : i32, i32
  }
  func.func @transform_4(%arg0: i32) -> (i32, i32) {
    %c0_i32 = arith.constant 0 : i32
    %c0_i32_0 = arith.constant 0 : i32
    return %arg0, %c0_i32 : i32, i32
  }
}

module attributes {stable_mosaic.version = 14 : i64} {
  func.func @_tc_tail_body(%arg0: i32, %arg1: memref<80x256xf32, #tpu.memory_space<vmem>>, %arg2: memref<80x256xf32, #tpu.memory_space<vmem>>, %arg3: memref<256x256xf32, #tpu.memory_space<vmem>>, %arg4: memref<256x256xf32, #tpu.memory_space<vmem>>, %arg5: memref<80x256xf32, #tpu.memory_space<vmem>>) attributes {dimension_semantics = [#tpu.dimension_semantics<arbitrary>], iteration_bounds = array<i64: 20>, scalar_prefetch = 0 : i64, scratch_operands = 0 : i64, tpu.core_type = #tpu.core_type<tc>, window_params = [{transform_indices = @transform_0, window_bounds = array<i64: 80, 256>}, {transform_indices = @transform_1, window_bounds = array<i64: 80, 256>}, {pipeline_mode = #tpu.pipeline_mode<synchronous>, transform_indices = @transform_2, window_bounds = array<i64: 256, 256>}, {pipeline_mode = #tpu.pipeline_mode<synchronous>, transform_indices = @transform_3, window_bounds = array<i64: 256, 256>}, {transform_indices = @transform_4, window_bounds = array<i64: 80, 256>}]} {
    %get3A = arith.constant 0 : index
    %get3A_0 = arith.constant 0 : index
    %get3A_1 = vector.load %arg1[%get3A, %get3A_0] : memref<80x256xf32, #tpu.memory_space<vmem>>, vector<80x256xf32>
    %get3A_2 = arith.constant 0 : index
    %get3A_3 = arith.constant 0 : index
    %get3A_4 = vector.load %arg4[%get3A_2, %get3A_3] : memref<256x256xf32, #tpu.memory_space<vmem>>, vector<256x256xf32>
    %dot_general3A = arith.constant dense<0.000000e+00> : vector<80x256xf32>
    %dot_general3A_5 = tpu.matmul %get3A_1, %get3A_4, %dot_general3A {dimension_numbers = #tpu.dot_dimension_numbers<[1], [0], [0], [1], [0, 0, 1, 1], [], []>, transpose_lhs_hint = false} : vector<80x256xf32>, vector<256x256xf32>, vector<80x256xf32> -> vector<80x256xf32>
    %get3A_6 = arith.constant 0 : index
    %get3A_7 = arith.constant 0 : index
    %get3A_8 = vector.load %arg2[%get3A_6, %get3A_7] : memref<80x256xf32, #tpu.memory_space<vmem>>, vector<80x256xf32>
    %get3A_9 = arith.constant 0 : index
    %get3A_10 = arith.constant 0 : index
    %get3A_11 = vector.load %arg3[%get3A_9, %get3A_10] : memref<256x256xf32, #tpu.memory_space<vmem>>, vector<256x256xf32>
    %dot_general3A_12 = arith.constant dense<0.000000e+00> : vector<80x256xf32>
    %dot_general3A_13 = tpu.matmul %get3A_8, %get3A_11, %dot_general3A_12 {dimension_numbers = #tpu.dot_dimension_numbers<[1], [0], [0], [1], [0, 0, 1, 1], [], []>, transpose_lhs_hint = false} : vector<80x256xf32>, vector<256x256xf32>, vector<80x256xf32> -> vector<80x256xf32>
    %add3A = arith.addf %dot_general3A_5, %dot_general3A_13 : vector<80x256xf32>
    %max3A = arith.constant 0.000000e+00 : f32
    %max3A_14 = vector.broadcast %max3A : f32 to vector<80x256xf32>
    %max3A_15 = arith.maximumf %add3A, %max3A_14 : vector<80x256xf32>
    %swap3A = arith.constant 0 : index
    %swap3A_16 = arith.constant 0 : index
    %swap3A_17 = vector.load %arg5[%swap3A, %swap3A_16] : memref<80x256xf32, #tpu.memory_space<vmem>>, vector<80x256xf32>
    tpu.vector_store %arg5[%swap3A, %swap3A_16], %max3A_15 {strides = array<i32>} : memref<80x256xf32, #tpu.memory_space<vmem>>, vector<80x256xf32>,
    return
  }
  func.func @transform_0(%arg0: i32) -> (i32, i32) {
    %add3A = arith.constant 105 : i32
    %add3A_0 = arith.addi %add3A, %arg0 : i32
    %c0_i32 = arith.constant 0 : i32
    %c0_i32_1 = arith.constant 0 : i32
    return %add3A_0, %c0_i32 : i32, i32
  }
  func.func @transform_1(%arg0: i32) -> (i32, i32) {
    %c0_i32 = arith.constant 0 : i32
    %c0_i32_0 = arith.constant 0 : i32
    return %arg0, %c0_i32 : i32, i32
  }
  func.func @transform_2(%arg0: i32) -> (i32, i32) {
    %c0_i32 = arith.constant 0 : i32
    %c0_i32_0 = arith.constant 0 : i32
    %c0_i32_1 = arith.constant 0 : i32
    return %c0_i32, %c0_i32_0 : i32, i32
  }
  func.func @transform_3(%arg0: i32) -> (i32, i32) {
    %c0_i32 = arith.constant 0 : i32
    %c0_i32_0 = arith.constant 0 : i32
    %c0_i32_1 = arith.constant 0 : i32
    return %c0_i32, %c0_i32_0 : i32, i32
  }
  func.func @transform_4(%arg0: i32) -> (i32, i32) {
    %c0_i32 = arith.constant 0 : i32
    %c0_i32_0 = arith.constant 0 : i32
    return %arg0, %c0_i32 : i32, i32
  }
}

</mosaic_0001>

<sc_bundles>
// kernel: kernel.5.cloned.1.call-start
scs
__scs_entry_jumppad:
0x0: {  	(pc) =	sbr.rel $0x88, $3  }
0x1: {  	(tag) =	ssettag $0x0;
	lr =	simm.s32 $0x1  }
0x2: {  	[smem:$0x3F9D] =	sst lr;
	_ =	strace $0xD0000000  }
0x3: {  	_ = 	snop  }
0x4: {  	_ = 	snop  }
0x5: {  	_ = 	snop  }
0x6: {  	_ = 	snop  }
0x7: {  	_ = 	snop  }
__scs_overlays_trampoline_lowered:
0x8: {  	[smem:$0x3FAC] =	sst s0  }
0x9: {  	[smem:$0x3FAD] =	sst s1  }
0xa: {  	[smem:$0x3FAE] =	sst s2  }
0xb: {  	[smem:$0x3FAF] =	sst s3  }
0xc: {  	[smem:$0x3FB0] =	sst s4  }
0xd: {  	[smem:$0x3FB1] =	sst s5  }
0xe: {  	[smem:$0x3FB2] =	sst s6  }
0xf: {  	[smem:$0x3FB3] =	sst s7  }
0x10: {  	[smem:$0x3FB4] =	sst s8  }
0x11: {  	[smem:$0x3FB5] =	sst s9;
	s0 =	simm.s32 @!p0 $0x0  }
0x12: {  	s1 =	sld [smem:$0x3F9B];
	s0 =	simm.s32 @p0 $0x1  }
0x13: {  	[smem:$0x3FB6] =	sst s0;
	s0 =	simm.s32 @!p1 $0x0  }
0x14: {  	s2 =	sld [smem:$0x3F9A];
	s0 =	simm.s32 @p1 $0x1  }
0x15: {  	[smem:$0x3FB7] =	sst s0;
	s0 =	simm.s32 @!p2 $0x0  }
0x16: {  	s3 =	sld [smem:$0x3FDB];
	s0 =	simm.s32 @p2 $0x1  }
0x17: {  	s4 =	simm.s32 $0x1BF5;
	[smem:$0x3FB9] =	sst s0  }
0x18: {  	s0 =	sld [smem:$0x3F9C];
	_ =	swait.ge [sflag:s4], $0x0  }
0x19: {  	s7 =	sld [smem:$0x3F9D]  }
0x1a: {  	s8 =	sadd.s32 $0xFFFFE003, lr  }
0x1b: {  	s9 =	sadd.s32 $0xFFFFFEF7, lr;
	s5 =	simm.s32 $0xFFFFFFFF;
	p2 =	slt.u32 s8, $0xFFFFF086  }
0x1c: {  	p1 =	slt.u32 s9, $0xF7A;
	s5 =	simm.s32 @!p2 $0x0  }
0x1d: {  	s5 =	simm.s32 @p1 $0x1;
	p0 =	seq.s32 s7, s2  }
0x1e: {  	s7 =	smul.u32 @!p0 $0xF7A, s2;
	p2 =	seq.s32 @!p0 s5, $0x0  }
0x1f: {  	s9 =	smul.u32 $0xF7A, s1;
	s8 =	simm.s32 @!p0 $0x1BF5;
	p2 =	por !p2, p0  }
0x20: {  	[sflag:s8] =	ssyncset.s32 @!p0 $0xFFFFF086;
	s6 =	sadd.s32 @!p0 s3, s7;
	s7 =	simm.s32 @!p0 $0x108  }
0x21: {  	s3 =	sadd.s32 s3, s9;
	s6 =	sadd.s32 @!p0 $0x88, s6;
	s7 =	simm.s32 @p2 $0x1082  }
0x22: {  	[simem:s7], [sflag:s8] =	dma.local @!p0 [hbm:s6], $0xF7A  }
0x23: {  	s9 =	sor.u32 $0xD0000000, s2;
	s6 =	simm.s32 $0x108;
	_ =	swait.ge @!p0 [sflag:s8], $0x0  }
0x24: {  	s3 =	sadd.s32 $0x88, s3;
	s6 =	simm.s32 @!p1 $0x1082;
	[sflag:s4] =	ssyncset.s32 $0xFFFFF086  }
0x25: {  	[simem:s6], [sflag:s4] =	dma.local [hbm:s3], $0xF7A  }
0x26: {  	[smem:$0x3F9D] =	sst s1;
	(tag) =	ssettag s2;
	_ =	strace s9  }
0x27: {  	s1 =	sld [smem:$0x3FAD]  }
0x28: {  	s2 =	sld [smem:$0x3FAE]  }
0x29: {  	s4 =	sld [smem:$0x3FB0]  }
0x2a: {  	p0 =	seq.s32 s5, $0x0;
	s5 =	sld [smem:$0x3FB1]  }
0x2b: {  	s6 =	sld [smem:$0x3FB2]  }
0x2c: {  	s7 =	sld [smem:$0x3FB3]  }
0x2d: {  	s3 =	simm.s32 $0x108;
	s8 =	sld [smem:$0x3FB4]  }
0x2e: {  	s3 =	simm.s32 @!p0 $0x1082;
	s9 =	sld [smem:$0x3FB5]  }
0x2f: {  	lr =	sadd.s32 s0, s3;
	s0 =	sld [smem:$0x3FAC]  }
0x30: {  	s3 =	sld [smem:$0x3FAF]  }
0x31: {  	[smem:$0x3FB8] =	sst s10  }
0x32: {  	s10 =	sld [smem:$0x3FB6];
	_ =	sdelay $0x3  }
0x33: {  	p0 =	seq.s32 s10, $0x1;
	s10 =	sld [smem:$0x3FB8];
	_ =	sdelay $0x3  }
0x34: {  	[smem:$0x3FB8] =	sst s10  }
0x35: {  	s10 =	sld [smem:$0x3FB7];
	_ =	sdelay $0x3  }
0x36: {  	p1 =	seq.s32 s10, $0x1;
	s10 =	sld [smem:$0x3FB8];
	_ =	sdelay $0x3  }
0x37: {  	[smem:$0x3FB8] =	sst s10  }
0x38: {  	s10 =	sld [smem:$0x3FB9]  }
0x39: {  	_ = 	snop;
	(pc) =	sbr.ind lr, $3  }
0x3a: {  	_ = 	snop  }
0x3b: {  	_ = 	snop  }
0x3c: {  	p2 =	seq.s32 s10, $0x1;
	s10 =	sld [smem:$0x3FB8]  }
0x3d: {  	_ =	shalt  }
0x3e: {  	_ =	shalt  }
0x3f: {  	_ =	shalt  }
0x40: {  	_ =	shalt  }
0x41: {  	_ =	shalt  }
0x42: {  	_ =	shalt  }
0x43: {  	_ =	shalt  }
0x44: {  	_ =	shalt  }
0x45: {  	_ =	shalt  }
0x46: {  	_ =	shalt  }
0x47: {  	_ =	shalt  }
0x48: {  	_ =	shalt  }
0x49: {  	_ =	shalt  }
0x4a: {  	_ =	shalt  }
0x4b: {  	_ =	shalt  }
0x4c: {  	_ =	shalt  }
0x4d: {  	_ =	shalt  }
0x4e: {  	_ =	shalt  }
0x4f: {  	_ =	shalt  }
0x50: {  	_ =	shalt  }
0x51: {  	_ =	shalt  }
0x52: {  	_ =	shalt  }
0x53: {  	_ =	shalt  }
0x54: {  	_ =	shalt  }
0x55: {  	_ =	shalt  }
0x56: {  	_ =	shalt  }
0x57: {  	_ =	shalt  }
0x58: {  	_ =	shalt  }
0x59: {  	_ =	shalt  }
0x5a: {  	_ =	shalt  }
0x5b: {  	_ =	shalt  }
0x5c: {  	_ =	shalt  }
0x5d: {  	_ =	shalt  }
0x5e: {  	_ =	shalt  }
0x5f: {  	_ =	shalt  }
0x60: {  	_ =	shalt  }
0x61: {  	_ =	shalt  }
0x62: {  	_ =	shalt  }
0x63: {  	_ =	shalt  }
0x64: {  	_ =	shalt  }
0x65: {  	_ =	shalt  }
0x66: {  	_ =	shalt  }
0x67: {  	_ =	shalt  }
0x68: {  	_ =	shalt  }
0x69: {  	_ =	shalt  }
0x6a: {  	_ =	shalt  }
0x6b: {  	_ =	shalt  }
0x6c: {  	_ =	shalt  }
0x6d: {  	_ =	shalt  }
0x6e: {  	_ =	shalt  }
0x6f: {  	_ =	shalt  }
0x70: {  	_ =	shalt  }
0x71: {  	_ =	shalt  }
0x72: {  	_ =	shalt  }
0x73: {  	_ =	shalt  }
0x74: {  	_ =	shalt  }
0x75: {  	_ =	shalt  }
0x76: {  	_ =	shalt  }
0x77: {  	_ =	shalt  }
0x78: {  	_ =	shalt  }
0x79: {  	_ =	shalt  }
0x7a: {  	_ =	shalt  }
0x7b: {  	_ =	shalt  }
0x7c: {  	_ =	shalt  }
0x7d: {  	_ =	shalt  }
0x7e: {  	_ =	shalt  }
0x7f: {  	_ =	shalt  }
0x80: {  	_ =	shalt  }
0x81: {  	_ =	shalt  }
0x82: {  	_ =	shalt  }
0x83: {  	_ =	shalt  }
0x84: {  	_ =	shalt  }
0x85: {  	_ =	shalt  }
0x86: {  	_ =	shalt  }
0x87: {  	_ =	shalt  }
.Lfunc_end0:
.L_simem_size_0:
called_computation_lowered:
.L_overlay_start_0:
0x88: {  	s2 =	sld [smem:$0x3FD9]  }
0x89: {  	s3 =	sld [smem:$0x3FFE];
	_ =	sdelay $0x1  }
0x8a: {  	s1 =	srdreg.scid  }
0x8b: {  	s0 =	sand.u32 $0x1, s1  }
0x8c: {  	s18 =	sshll.u32 s0, $0xA;
	s2 =	sadd.s32 s3, s2  }
0x8d: {  	s2 =	sadd.s32 s2, s18  }
0x8e: {  	[smem:$0x3FC4] =	sst s2  }
0x8f: {  	_ = 	snop  }
0x90: {  	s2 =	sld [smem:$0x3FC8]  }
0x91: {  	s19 =	sld [smem:$0x3FD0];
	(tm) =	ssettm $0x1  }
0x92: {  	s4 =	sld [smem:$0x3FFB];
	_ =	sdelay $0x3  }
0x93: {  	_ =	strace s4  }
0x94: {  	s4 =	sld [smem:$0x3FFC];
	_ =	sdelay $0x3  }
0x95: {  	_ =	strace s4  }
0x96: {  	s4 =	sld [smem:$0x3FFD];
	_ =	sdelay $0x3  }
0x97: {  	_ =	strace s4  }
0x98: {  	_ =	strace $0x8FFFFFFF  }
0x99: {  	s20 =	sld [smem:$0x3FDB];
	_ =	sdelay $0x1  }
0x9a: {  	s5 =	simm.s32 $_scs_section_size  }
0x9b: {  	s6 =	simm.s32 $_size__tile_overlayer_lowered;
	s7 =	simm.s32 $_tile_overlayer_lowered  }
0x9c: {  	s23 =	simm.s32 $0x1BFF;
	s22 =	sshll.u32 s7, $0x1;
	s4 =	sadd.s32 s5, s20  }
0x9d: {  	s8 =	simm.s32 $0x0;
	s21 =	sshll.u32 s6, $0x1;
	s6 =	sadd.s32 s22, s4  }
0x9e: {  	[timem:s8], [sflag:s23] =	dma.local [hbm:s6], s21  }
0x9f: {  	_ =	swait.ge [sflag:s23], s21  }
0xa0: {  	s5 =	ssub.s32 $0x0, s21;
	[sflag:s23] =	ssyncset.done $0x0  }
0xa1: {  	[sflag:s23] =	ssyncadd.s32 s5;
	_ =	sdelay $0x1  }
0xa2: {  	s24 =	simm.s32 $0x1B8B  }
0xa3: {  	_ =	swait.ge [sflag:s24], $0x1  }
0xa4: {  	[sflag:s24] =	ssyncset.done $0x0  }
0xa5: {  	s25 =	simm.s32 $0x1B8E;
	[sflag:s24] =	ssyncadd.s32 $0xFFFFFFFF  }
0xa6: {  	s26 =	simm.s32 $execute0_lowered;
	[smem:$0x3FD2] =	sst s25  }
0xa7: {  	s5 =	sshll.u32 s26, $0x1;
	_ =	strace $0x80000046;
	[dreg:$0x1] =	wrdreg $0xFFFFFFFF  }
0xa8: {  	s28 =	simm.s32 $_size_execute0_lowered;
	s4 =	sadd.s32 s4, s5;
	[dreg:$0x0] =	wrdreg $0x0  }
0xa9: {  	s5 =	sshll.u32 s28, $0x1;
	[dreg:$0x2] =	wrdreg s4  }
0xaa: {  	[dreg:$0x3] =	wrdreg s5  }
0xab: {  	[dreg:$0x4] =	wrdreg $0xC0  }
0xac: {  	_ =	task [dreg:s8], $0x5FFFF  }
0xad: {  	[dreg:$0x1] =	wrdreg $0xFFFFFFFF  }
0xae: {  	[dreg:$0x0] =	wrdreg $0x60  }
0xaf: {  	[dreg:$0x2] =	wrdreg s2  }
0xb0: {  	[dreg:$0x3] =	wrdreg s19  }
0xb1: {  	[dreg:$0x4] =	wrdreg $0x9  }
0xb2: {  	_ =	task.clear_ibuf [dreg:s8], $0x5FFFF;
	_ =	strace $0x90000046  }
0xb3: {  	s29 =	simm.s32 $0x9;
	_ =	strace $0x8000004F  }
0xb4: {  	_ =	swait.ge [sflag:s29], $0x1  }
0xb5: {  	[sflag:s29] =	ssyncadd.s32 $0xFFFFFFFF  }
0xb6: {  	_ =	strace $0x9000004F  }
0xb7: {  	_ =	sfence  }
0xb8: {  	s30 =	sld [smem:$0x0];
	_ =	sdelay $0x2  }
0xb9: {  	s31 =	sshll.u32 s1, $0xD;
	s1 =	sshrl.u32 s1, $0x2  }
0xba: {  	s3 =	sand.u32 $0x4000, s31;
	s1 =	sadd.s32 s1, s30  }
0xbb: {  	s0 =	sor.u32 s3, s0;
	s1 =	sshll.u32 s1, $0x11  }
0xbc: {  	s0 =	sor.u32 s1, s0  }
0xbd: {  	s0 =	sadd.s32 $0x8F2B, s0  }
0xbe: {  	[sflag:s0] =	ssyncadd.remote.s32 $0x1  }
0xbf: {  	_ =	sfence.sel $0xFFFF  }
0xc0: {  	[dreg:$0x0] =	wrdreg $0xFFFFFFFF;
	(pc) =	sbr.abs _section_cstart, $3  }
0xc1: {  	[dreg:$0x1] =	wrdreg $0xFFFFFFFF  }
0xc2: {  	_ =	task.clear_ibuf [dreg:s8], $0x2FFFF;
	_ =	strace $0x9FFFFFFF  }
0xc3: {  	(tm) =	ssettm $0x7FFFFFFF  }
tec
execute0_lowered:
.L_overlay_start_1:
0x0: {  	(tag) =	ssettag $0x1  }
0x1: {  	s0 =	srdreg.scid  }
0x2: {  	s0 =	sand.u32 $0x1, s0  }
0x3: {  	s3 =	stileid.u32;
	s1 =	sshll.u32 s0, $0x4  }
0x4: {  	s1 =	sor.u32 s3, s1  }
0x5: {  	s2 =	rddreg [dreg:$0x0];
	s5 =	smul.u32 $0x6, s1  }
0x6: {  	s4 =	simm.s32 $0x0;
	s10 =	simm.s32 $0x0;
	s6 =	smul.u32 $0x7, s1  }
0x7: {  	s21 =	simm.s32 $0x0;
	p0 =	slt.u32 s1, $0x8;
	s5 =	sadd.s32 $0x8, s5  }
0x8: {  	[smem:$0x7FF] =	sst s4;
	s0 =	ssub.s32 $0x2, s0;
	s5 =	smov.u32 @p0 s6  }
0x9: {  	s3 =	rddreg [dreg:$0x1];
	_ =	strace $0x80000047;
	s31 =	sshll.u32 s5, $0xC  }
0xa: {  	s7 =	sshrl.u32 s0, $0x1;
	s6 =	simm.s32 $0x7;
	s1 =	sadd.s32 s31, s2  }
0xb: {  	s0 =	ssub.s32 s0, s7;
	s6 =	simm.s32 @!p0 $0x6;
	s1 =	sadd.s32 $0x41A000, s1  }
0xc: {  	s9 =	smax.u32 s0, $0x1;
	s8 =	sadd.s32 $0xFFFFFFFF, s6;
	[dreg:$0x3] =	wrdreg s1  }
.LBB2_1:
0xd: {  	_ =	strace $0x80000048  }
0xe: {  	s0 =	simm.s32 $0x0;
	s12 =	simm.s32 $0x0;
	s11 =	simm.s32 $0x0  }
0xf: {  	s13 =	simm.s32 $0x0;
	s14 =	simm.s32 $0x0;
	s1 =	rddreg [dreg:$0x3]  }
0x10: {  	[tilespmem:s0], [sflag:$0x1] =	stream.linear.gather [hbm4b:s1+s0], $0x8000, $0x200038;
	[tilespmem:$0x11000] =	vst v63  }
0x11: {  	s15 =	simm.s32 $0x1;
	s16 =	simm.s32 $0x0;
	_ =	strace $0x90000048  }
.LBB2_2:
0x12: {  	s0 =	smov.u32 s12;
	s12 =	sadd.s32 $0x1, s12  }
0x13: {  	p0 =	seq.s32 s12, s6  }
0x14: {  	s12 =	simm.s32 @p0 $0x0  }
0x15: {  	p6 =	slt.u32 s16, s8;
	p1 =	sne.s32 s0, s12  }
0x16: {  	p0 =	por !p6, !p1  }
0x17: {  	p0 =	por !p0, !p0  }
0x18: {  	s1 =	sadd.s32 @p0 s5, s12  }
0x19: {  	s1 =	sshll.u32 @p0 s1, $0xF  }
0x1a: {  	s17 =	sand.u32 @p0 $0x1, s15;
	s1 =	sadd.s32 @p0 $0x20D0000, s1  }
0x1b: {  	_ =	strace @p0 $0x80000049;
	s19 =	simm.s32 @p0 $0x0;
	s1 =	sshrl.u32 @p0 s1, $0x3  }
0x1c: {  	s18 =	sshll.u32 @p0 s17, $0xF;
	s17 =	sadd.s32 @p0 $0x1, s17;
	s1 =	sadd.s32 @p0 s2, s1  }
0x1d: {  	[tilespmem:s18], [sflag:s17] =	stream.linear.gather @p0 [hbm4b:s1+s19], $0x8000, $0x200038;
	[tilespmem:$0x11000] =	vst v63  }
0x1e: {  	s29 =	sand.u32 $0x1, s14;
	_ =	strace @p0 $0x90000049  }
0x1f: {  	s1 =	sadd.s32 $0x1, s29;
	_ =	strace $0x8000004A  }
0x20: {  	_ =	swait.ge [sflag:s1], $0x8000  }
0x21: {  	s30 =	sshll.u32 s14, $0xF;
	[sflag:s1] =	ssyncset.done $0x0  }
0x22: {  	s22 =	simm.s32 $0x0;
	s18 =	sand.u32 $0x1, s13;
	[sflag:s1] =	ssyncadd.s32 $0xFFFF8000  }
0x23: {  	s20 =	sand.u32 $0x8000, s30;
	s31 =	sshll.u32 s18, $0xB;
	_ =	strace $0x9000004A  }
0x24: {  	s17 =	sadd.s32 s5, s0;
	s19 =	sor.u32 $0x10000, s31;
	_ =	strace $0x8000004B  }
.LBB2_3:
0x25: {  	s0 =	sshll.u32 s22, $0xE  }
0x26: {  	s0 =	sshra.s32 s0, $0x2  }
0x27: {  	s4 =	sand.u32 $0x400, s21;
	s23 =	sadd.s32 s0, s20  }
0x28: {  	s1 =	sand.u32 $0x60, s21;
	s26 =	sadd.s32 s4, s23  }
0x29: {  	s24 =	sadd.s32 s1, s26  }
0x2a: {  	v0 =	vld [tilespmem:s24+$0x0]  }
0x2b: {  	v1 =	vld [tilespmem:s24+$0x80];
	_ =	sdelay $0x1  }
0x2c: {  	v2 =	vld [tilespmem:s24+$0x100];
	_ =	sdelay $0x1  }
0x2d: {  	v3 =	vld [tilespmem:s24+$0x180]  }
0x2e: {  	v0 =	vadd.f32 v1, v0  }
0x2f: {  	v1 =	vld [tilespmem:s24+$0x200]  }
0x30: {  	v0 =	vadd.f32 v2, v0  }
0x31: {  	v2 =	vld [tilespmem:s24+$0x280]  }
0x32: {  	v0 =	vadd.f32 v3, v0  }
0x33: {  	v3 =	vld [tilespmem:s24+$0x300]  }
0x34: {  	v0 =	vadd.f32 v1, v0  }
0x35: {  	s28 =	sadd.s32 $0x800, s26;
	v1 =	vld [tilespmem:s24+$0x380]  }
0x36: {  	s7 =	sadd.s32 s1, s28;
	v0 =	vadd.f32 v2, v0  }
0x37: {  	v2 =	vld [tilespmem:s7+$0x0]  }
0x38: {  	v0 =	vadd.f32 v3, v0  }
0x39: {  	v3 =	vld [tilespmem:s7+$0x80]  }
0x3a: {  	v0 =	vadd.f32 v1, v0  }
0x3b: {  	v1 =	vld [tilespmem:s7+$0x100]  }
0x3c: {  	v0 =	vadd.f32 v2, v0  }
0x3d: {  	v2 =	vld [tilespmem:s7+$0x180]  }
0x3e: {  	v0 =	vadd.f32 v3, v0  }
0x3f: {  	v3 =	vld [tilespmem:s7+$0x200]  }
0x40: {  	v0 =	vadd.f32 v1, v0  }
0x41: {  	v1 =	vld [tilespmem:s7+$0x280]  }
0x42: {  	v0 =	vadd.f32 v2, v0  }
0x43: {  	v2 =	vld [tilespmem:s7+$0x300]  }
0x44: {  	v0 =	vadd.f32 v3, v0  }
0x45: {  	v3 =	vld [tilespmem:s7+$0x380]  }
0x46: {  	v0 =	vadd.f32 v1, v0;
	_ =	sdelay $0x1  }
0x47: {  	v0 =	vadd.f32 v2, v0  }
0x48: {  	s25 =	sshll.u32 s22, $0x7  }
0x49: {  	s24 =	sand.u32 $0x3FFFFF80, s25;
	v0 =	vadd.f32 v3, v0  }
0x4a: {  	s24 =	sadd.s32 s24, s19  }
0x4b: {  	s25 =	sadd.s32 s4, s24;
	v0 =	vmul.f32 $6.250000000e-02, v0  }
0x4c: {  	s30 =	sor.u32 $0x10, s1;
	s0 =	sadd.s32 s1, s25  }
0x4d: {  	s26 =	sadd.s32 s30, s26;
	[tilespmem:s0+$0x0] =	vst v0  }
0x4e: {  	v0 =	vld [tilespmem:s26+$0x0]  }
0x4f: {  	v1 =	vld [tilespmem:s26+$0x80];
	_ =	sdelay $0x1  }
0x50: {  	v2 =	vld [tilespmem:s26+$0x100];
	_ =	sdelay $0x1  }
0x51: {  	v3 =	vld [tilespmem:s26+$0x180]  }
0x52: {  	v0 =	vadd.f32 v1, v0  }
0x53: {  	v1 =	vld [tilespmem:s26+$0x200]  }
0x54: {  	v0 =	vadd.f32 v2, v0  }
0x55: {  	v2 =	vld [tilespmem:s26+$0x280]  }
0x56: {  	v0 =	vadd.f32 v3, v0  }
0x57: {  	v3 =	vld [tilespmem:s26+$0x300]  }
0x58: {  	v0 =	vadd.f32 v1, v0  }
0x59: {  	v1 =	vld [tilespmem:s26+$0x380]  }
0x5a: {  	s29 =	sadd.s32 s30, s28;
	v0 =	vadd.f32 v2, v0  }
0x5b: {  	v2 =	vld [tilespmem:s29+$0x0]  }
0x5c: {  	v0 =	vadd.f32 v3, v0  }
0x5d: {  	v3 =	vld [tilespmem:s29+$0x80]  }
0x5e: {  	v0 =	vadd.f32 v1, v0  }
0x5f: {  	v1 =	vld [tilespmem:s29+$0x100]  }
0x60: {  	v0 =	vadd.f32 v2, v0  }
0x61: {  	v2 =	vld [tilespmem:s29+$0x180]  }
0x62: {  	v0 =	vadd.f32 v3, v0  }
0x63: {  	v3 =	vld [tilespmem:s29+$0x200]  }
0x64: {  	v0 =	vadd.f32 v1, v0  }
0x65: {  	v1 =	vld [tilespmem:s29+$0x280]  }
0x66: {  	v0 =	vadd.f32 v2, v0  }
0x67: {  	v2 =	vld [tilespmem:s29+$0x300]  }
0x68: {  	v0 =	vadd.f32 v3, v0  }
0x69: {  	v3 =	vld [tilespmem:s29+$0x380]  }
0x6a: {  	v0 =	vadd.f32 v1, v0;
	_ =	sdelay $0x1  }
0x6b: {  	v0 =	vadd.f32 v2, v0;
	_ =	sdelay $0x1  }
0x6c: {  	s31 =	simm.s32 $0x40;
	s28 =	simm.s32 $0x100;
	s26 =	simm.s32 $0x20;
	v0 =	vadd.f32 v3, v0  }
.LBB2_4:
0x6d: {  	s1 =	sand.u32 $0x60, s26  }
0x6e: {  	s4 =	sand.u32 $0x400, s28;
	s26 =	smov.u32 s31;
	s29 =	sadd.s32 $0x20, s31  }
0x6f: {  	s30 =	sadd.s32 s30, s25;
	s0 =	sadd.s32 s4, s23;
	v0 =	vmul.f32 $6.250000000e-02, v0;
	s25 =	sadd.s32 s4, s24  }
0x70: {  	p2 =	sne.s32 s31, $0xE0;
	s4 =	sadd.s32 s1, s0;
	s31 =	sadd.s32 $0x800, s0  }
0x71: {  	s7 =	sadd.s32 s1, s31;
	[tilespmem:s30+$0x0] =	vst v0  }
0x72: {  	v0 =	vld [tilespmem:s4+$0x0]  }
0x73: {  	v1 =	vld [tilespmem:s4+$0x80];
	_ =	sdelay $0x1  }
0x74: {  	v2 =	vld [tilespmem:s4+$0x100];
	_ =	sdelay $0x1  }
0x75: {  	v3 =	vld [tilespmem:s4+$0x180]  }
0x76: {  	v0 =	vadd.f32 v1, v0  }
0x77: {  	v1 =	vld [tilespmem:s4+$0x200]  }
0x78: {  	v0 =	vadd.f32 v2, v0  }
0x79: {  	v2 =	vld [tilespmem:s4+$0x280]  }
0x7a: {  	v0 =	vadd.f32 v3, v0  }
0x7b: {  	v3 =	vld [tilespmem:s4+$0x300]  }
0x7c: {  	v0 =	vadd.f32 v1, v0  }
0x7d: {  	v1 =	vld [tilespmem:s4+$0x380]  }
0x7e: {  	v0 =	vadd.f32 v2, v0  }
0x7f: {  	v2 =	vld [tilespmem:s7+$0x0]  }
0x80: {  	v0 =	vadd.f32 v3, v0  }
0x81: {  	v3 =	vld [tilespmem:s7+$0x80]  }
0x82: {  	v0 =	vadd.f32 v1, v0  }
0x83: {  	v1 =	vld [tilespmem:s7+$0x100]  }
0x84: {  	v0 =	vadd.f32 v2, v0  }
0x85: {  	v2 =	vld [tilespmem:s7+$0x180]  }
0x86: {  	v0 =	vadd.f32 v3, v0  }
0x87: {  	v3 =	vld [tilespmem:s7+$0x200]  }
0x88: {  	v0 =	vadd.f32 v1, v0  }
0x89: {  	v1 =	vld [tilespmem:s7+$0x280]  }
0x8a: {  	v0 =	vadd.f32 v2, v0  }
0x8b: {  	v2 =	vld [tilespmem:s7+$0x300]  }
0x8c: {  	v0 =	vadd.f32 v3, v0  }
0x8d: {  	v3 =	vld [tilespmem:s7+$0x380]  }
0x8e: {  	v0 =	vadd.f32 v1, v0;
	_ =	sdelay $0x1  }
0x8f: {  	v0 =	vadd.f32 v2, v0;
	_ =	sdelay $0x1  }
0x90: {  	v0 =	vadd.f32 v3, v0;
	_ =	sdelay $0x1  }
0x91: {  	v0 =	vmul.f32 $6.250000000e-02, v0  }
0x92: {  	s30 =	sor.u32 $0x10, s1;
	s4 =	sadd.s32 s1, s25  }
0x93: {  	s0 =	sadd.s32 s30, s0;
	[tilespmem:s4+$0x0] =	vst v0  }
0x94: {  	v0 =	vld [tilespmem:s0+$0x0]  }
0x95: {  	v1 =	vld [tilespmem:s0+$0x80];
	_ =	sdelay $0x1  }
0x96: {  	v2 =	vld [tilespmem:s0+$0x100]  }
0x97: {  	v3 =	vld [tilespmem:s0+$0x180];
	_ =	sdelay $0x1  }
0x98: {  	v0 =	vadd.f32 v1, v0;
	v1 =	vld [tilespmem:s0+$0x200];
	_ =	sdelay $0x1  }
0x99: {  	v0 =	vadd.f32 v2, v0;
	v2 =	vld [tilespmem:s0+$0x280];
	_ =	sdelay $0x1  }
0x9a: {  	v0 =	vadd.f32 v3, v0;
	v3 =	vld [tilespmem:s0+$0x300];
	_ =	sdelay $0x1  }
0x9b: {  	v0 =	vadd.f32 v1, v0;
	v1 =	vld [tilespmem:s0+$0x380]  }
0x9c: {  	s0 =	sadd.s32 s30, s31  }
0x9d: {  	v0 =	vadd.f32 v2, v0;
	v2 =	vld [tilespmem:s0+$0x0];
	_ =	sdelay $0x1  }
0x9e: {  	v0 =	vadd.f32 v3, v0;
	v3 =	vld [tilespmem:s0+$0x80];
	_ =	sdelay $0x1  }
0x9f: {  	v0 =	vadd.f32 v1, v0;
	v1 =	vld [tilespmem:s0+$0x100];
	_ =	sdelay $0x1  }
0xa0: {  	v0 =	vadd.f32 v2, v0;
	v2 =	vld [tilespmem:s0+$0x180];
	_ =	sdelay $0x1  }
0xa1: {  	v0 =	vadd.f32 v3, v0;
	v3 =	vld [tilespmem:s0+$0x200];
	_ =	sdelay $0x1  }
0xa2: {  	v0 =	vadd.f32 v1, v0;
	v1 =	vld [tilespmem:s0+$0x280];
	_ =	sdelay $0x1  }
0xa3: {  	v0 =	vadd.f32 v2, v0;
	v2 =	vld [tilespmem:s0+$0x300];
	_ =	sdelay $0x1  }
0xa4: {  	v0 =	vadd.f32 v3, v0;
	v3 =	vld [tilespmem:s0+$0x380];
	_ =	sdelay $0x1  }
.Ltmp0:
0xa5: {  	v0 =	vadd.f32 v1, v0;
	(pc) =	sbr.rel @p2 .LBB2_4-.Ltmp0, $3  }
0xa6: {  	_ = 	snop  }
0xa7: {  	v0 =	vadd.f32 v2, v0;
	_ =	sdelay $0x1  }
0xa8: {  	s28 =	sadd.s32 $0x100, s28;
	s31 =	smov.u32 s29;
	v0 =	vadd.f32 v3, v0  }
0xa9: {  	_ = 	snop  }
0xaa: {  	s0 =	sand.u32 $0x400, s28;
	v0 =	vmul.f32 $6.250000000e-02, v0  }
0xab: {  	s1 =	sand.u32 $0x60, s26;
	s7 =	sadd.s32 s30, s25;
	s4 =	sadd.s32 s0, s23  }
0xac: {  	s23 =	sadd.s32 s1, s4;
	[tilespmem:s7+$0x0] =	vst v0  }
0xad: {  	v0 =	vld [tilespmem:s23+$0x0]  }
0xae: {  	v1 =	vld [tilespmem:s23+$0x80];
	_ =	sdelay $0x1  }
0xaf: {  	v2 =	vld [tilespmem:s23+$0x100];
	_ =	sdelay $0x1  }
0xb0: {  	v3 =	vld [tilespmem:s23+$0x180]  }
0xb1: {  	v0 =	vadd.f32 v1, v0  }
0xb2: {  	v37 =	vld [tilespmem:s23+$0x200]  }
0xb3: {  	v0 =	vadd.f32 v2, v0  }
0xb4: {  	v38 =	vld [tilespmem:s23+$0x280]  }
0xb5: {  	v0 =	vadd.f32 v3, v0  }
0xb6: {  	v39 =	vld [tilespmem:s23+$0x300]  }
0xb7: {  	v0 =	vadd.f32 v37, v0  }
0xb8: {  	s28 =	sadd.s32 $0x800, s4;
	v40 =	vld [tilespmem:s23+$0x380]  }
0xb9: {  	s29 =	sadd.s32 s1, s28;
	v0 =	vadd.f32 v38, v0  }
0xba: {  	v41 =	vld [tilespmem:s29+$0x0]  }
0xbb: {  	v0 =	vadd.f32 v39, v0  }
0xbc: {  	v42 =	vld [tilespmem:s29+$0x80]  }
0xbd: {  	v0 =	vadd.f32 v40, v0  }
0xbe: {  	v43 =	vld [tilespmem:s29+$0x100]  }
0xbf: {  	v0 =	vadd.f32 v41, v0  }
0xc0: {  	v44 =	vld [tilespmem:s29+$0x180]  }
0xc1: {  	v0 =	vadd.f32 v42, v0  }
0xc2: {  	v45 =	vld [tilespmem:s29+$0x200]  }
0xc3: {  	v0 =	vadd.f32 v43, v0  }
0xc4: {  	v46 =	vld [tilespmem:s29+$0x280]  }
0xc5: {  	v0 =	vadd.f32 v44, v0  }
0xc6: {  	v47 =	vld [tilespmem:s29+$0x300]  }
0xc7: {  	v0 =	vadd.f32 v45, v0  }
0xc8: {  	v48 =	vld [tilespmem:s29+$0x380]  }
0xc9: {  	v0 =	vadd.f32 v46, v0;
	_ =	sdelay $0x1  }
0xca: {  	v0 =	vadd.f32 v47, v0;
	_ =	sdelay $0x1  }
0xcb: {  	v0 =	vadd.f32 v48, v0;
	_ =	sdelay $0x1  }
0xcc: {  	s0 =	sadd.s32 s0, s24;
	v0 =	vmul.f32 $6.250000000e-02, v0  }
0xcd: {  	s30 =	sadd.s32 s1, s0;
	s1 =	sor.u32 $0x10, s1  }
0xce: {  	s4 =	sadd.s32 s1, s4;
	[tilespmem:s30+$0x0] =	vst v0  }
0xcf: {  	v0 =	vld [tilespmem:s4+$0x0]  }
0xd0: {  	v49 =	vld [tilespmem:s4+$0x80];
	_ =	sdelay $0x1  }
0xd1: {  	v50 =	vld [tilespmem:s4+$0x100];
	_ =	sdelay $0x1  }
0xd2: {  	v51 =	vld [tilespmem:s4+$0x180]  }
0xd3: {  	v0 =	vadd.f32 v49, v0  }
0xd4: {  	v52 =	vld [tilespmem:s4+$0x200]  }
0xd5: {  	v0 =	vadd.f32 v50, v0  }
0xd6: {  	v53 =	vld [tilespmem:s4+$0x280]  }
0xd7: {  	v0 =	vadd.f32 v51, v0  }
0xd8: {  	v54 =	vld [tilespmem:s4+$0x300]  }
0xd9: {  	v0 =	vadd.f32 v52, v0  }
0xda: {  	v55 =	vld [tilespmem:s4+$0x380]  }
0xdb: {  	s31 =	sadd.s32 s1, s28;
	v0 =	vadd.f32 v53, v0  }
0xdc: {  	v56 =	vld [tilespmem:s31+$0x0]  }
0xdd: {  	v0 =	vadd.f32 v54, v0  }
0xde: {  	v57 =	vld [tilespmem:s31+$0x80]  }
0xdf: {  	v0 =	vadd.f32 v55, v0  }
0xe0: {  	v58 =	vld [tilespmem:s31+$0x100]  }
0xe1: {  	v0 =	vadd.f32 v56, v0  }
0xe2: {  	v59 =	vld [tilespmem:s31+$0x180]  }
0xe3: {  	v0 =	vadd.f32 v57, v0  }
0xe4: {  	v60 =	vld [tilespmem:s31+$0x200]  }
0xe5: {  	v0 =	vadd.f32 v58, v0  }
0xe6: {  	v61 =	vld [tilespmem:s31+$0x280]  }
0xe7: {  	v0 =	vadd.f32 v59, v0  }
0xe8: {  	v62 =	vld [tilespmem:s31+$0x300]  }
0xe9: {  	v0 =	vadd.f32 v60, v0  }
0xea: {  	v63 =	vld [tilespmem:s31+$0x380]  }
0xeb: {  	v0 =	vadd.f32 v61, v0;
	_ =	sdelay $0x1  }
0xec: {  	s22 =	sadd.s32 $0x1, s22;
	v0 =	vadd.f32 v62, v0  }
0xed: {  	p2 =	sne.s32 s22, $0x8  }
.Ltmp1:
0xee: {  	v0 =	vadd.f32 v63, v0;
	(pc) =	sbr.rel @p2 .LBB2_3-.Ltmp1, $4  }
0xef: {  	_ = 	snop  }
0xf0: {  	v0 =	vmul.f32 $6.250000000e-02, v0  }
0xf1: {  	s0 =	sadd.s32 s1, s0  }
0xf2: {  	[tilespmem:s0+$0x0] =	vst v0  }
0xf3: {  	p2 =	seq.s32 s16, s8  }
0xf4: {  	p1 =	por p2, p1  }
0xf5: {  	_ =	strace $0x9000004B;
	s0 =	sshll.u32 @p1 s17, $0x8  }
0xf6: {  	_ =	strace @p1 $0x8000004C;
	s0 =	sand.u32 @p1 $0x1FFFFF00, s0  }
0xf7: {  	s1 =	sadd.s32 @p1 $0x3, s18;
	s4 =	simm.s32 @p1 $0x0;
	s0 =	sadd.s32 @p1 s3, s0  }
0xf8: {  	[hbm4b:s0+s4] =	stream.linear.scatter @p1 [tilespmem:s19], [sflag:s1], $0x800, $0x200038;
	[tilespmem:$0x11000] =	vst v63  }
0xf9: {  	s0 =	simm.s32 $0x1  }
0xfa: {  	s4 =	simm.s32 $0x1;
	s0 =	simm.s32 @!p0 $0x0;
	p0 =	seq.s32 s16, $0x0  }
0xfb: {  	_ =	strace @p1 $0x9000004C;
	s15 =	sadd.s32 s0, s15;
	s0 =	simm.s32 $0x1  }
0xfc: {  	s0 =	simm.s32 @!p1 $0x0;
	p1 =	sne.s32 s16, $0x0;
	s16 =	sadd.s32 $0x1, s16  }
0xfd: {  	s1 =	sand.u32 @!p0 $0x1, s11;
	s4 =	simm.s32 @!p1 $0x0;
	p1 =	sne.s32 s16, s6  }
.Ltmp2:
0xfe: {  	_ =	strace @!p0 $0x8000004D;
	s1 =	sadd.s32 @!p0 $0x3, s1;
	(pc) =	sbr.rel @p1 .LBB2_2-.Ltmp2, $4  }
0xff: {  	_ =	swait.ge @!p0 [sflag:s1], $0x800  }
0x100: {  	[sflag:s1] =	ssyncset.done @!p0 $0x0  }
0x101: {  	s13 =	sadd.s32 s0, s13;
	[sflag:s1] =	ssyncadd.s32 @!p0 $0xFFFFF800  }
0x102: {  	s14 =	sadd.s32 s0, s14;
	s11 =	sadd.s32 s4, s11;
	_ =	strace @!p0 $0x9000004D  }
0x103: {  	s10 =	sadd.s32 $0x1, s10  }
0x104: {  	s0 =	sand.u32 $0x1, s11;
	p0 =	sne.s32 s10, s9  }
.Ltmp3:
0x105: {  	_ =	strace $0x8000004E;
	s0 =	sadd.s32 $0x3, s0;
	(pc) =	sbr.rel @p0 .LBB2_1-.Ltmp3, $4  }
0x106: {  	_ =	swait.ge [sflag:s0], $0x800  }
0x107: {  	[sflag:s0] =	ssyncset.done $0x0  }
0x108: {  	[sflag:s0] =	ssyncadd.s32 $0xFFFFF800  }
0x109: {  	_ =	strace $0x9000004E  }
0x10a: {  	_ =	sfence.sel $0x180000  }
0x10b: {  	[bflag:$0x0] =	sbarrier.arrive $0xFFFF  }
0x10c: {  	_ =	strace $0x90000047  }
0x10d: {  	s0 =	stileid.u32;
	[bflag:$0x2] =	sbarrier.arrive $0xFFFF  }
0x10e: {  	p0 =	sne.s32 s0, $0x0;
	s0 =	rddreg [dreg:$0x2]  }
0x10f: {  	s0 =	sadd.s32 @!p0 $0x100000, s0  }
0x110: {  	[sflag:s0] =	ssyncadd.tile.s32 @!p0 $0x1;
	_ =	shalt  }
.Lfunc_end2:
_tile_overlayer_lowered:
.L_overlay_start_2:
0x111: {  	(tag) =	ssettag $0x2  }
0x112: {  	s0 =	rddreg [dreg:$0x0];
	s2 =	stileid.u32  }
0x113: {  	s1 =	rddreg [dreg:$0x1];
	p0 =	sne.s32 s2, $0x0  }
0x114: {  	s3 =	rddreg [dreg:$0x2];
	[bflag:$0x3] =	sbarrier.arrive $0xFFFF;
	s2 =	simm.s32 @!p0 $0x1C01  }
0x115: {  	[timem:s3], [sflag:s2] =	dma.local @!p0 [hbm:s0], s1  }
0x116: {  	s0 =	simm.s32 @!p0 $0x1  }
0x117: {  	_ =	swait.ge @!p0 [sflag:s0], s1  }
0x118: {  	s1 =	ssub.s32 @!p0 $0x0, s1;
	[sflag:s0] =	ssyncset.done @!p0 $0x0  }
0x119: {  	[sflag:s0] =	ssyncadd.s32 @!p0 s1  }
0x11a: {  	[bflag:$0x3] =	sbarrier.arrive $0xFFFF  }
0x11b: {  	_ =	shalt  }

</sc_bundles>
